<compile_context>
chip_gen: v7x
topology: tpu7x:2x2x1
jax: 0.10.2.dev20260603
libtpu: 0.0.44.dev20260713+nightly
codegen_flags: <defaults>
</compile_context>

<pallas_src>
import functools

import jax
import jax.numpy as jnp
from jax import lax
from jax.experimental import pallas as pl
from jax.experimental.pallas import tpu as pltpu
from jax.experimental.pallas import tpu_sc as plsc

_B = 16384
_D = 32
_NC = 2
_NS = 16
_NW = _NC * _NS
_BPW = _B // _NW


def _gmf_body(uids, iids, utab, itab, out,
              uidx_v, iidx_v, urows_v, irows_v, usem, isem):
    wid = lax.axis_index("s") * _NC + lax.axis_index("c")
    base = wid * _BPW
    pltpu.sync_copy(uids.at[pl.ds(base, _BPW)], uidx_v)
    pltpu.sync_copy(iids.at[pl.ds(base, _BPW)], iidx_v)
    cu = pltpu.async_copy(utab.at[uidx_v], urows_v, usem)
    ci = pltpu.async_copy(itab.at[iidx_v], irows_v, isem)
    cu.wait()
    ci.wait()

    def mul_row(i, carry):
        urows_v[i, :] = urows_v[i, :] * irows_v[i, :]
        return carry

    lax.fori_loop(0, _BPW, mul_row, 0)
    pltpu.sync_copy(urows_v, out.at[pl.ds(base, _BPW)])


_gmf = functools.partial(
    pl.kernel,
    mesh=plsc.VectorSubcoreMesh(core_axis_name="c", subcore_axis_name="s"),
    compiler_params=pltpu.CompilerParams(use_tc_tiling_on_sc=False),
    out_type=jax.ShapeDtypeStruct((_B, _D), jnp.bfloat16),
    scratch_types=[
        pltpu.VMEM((_BPW,), jnp.int32),
        pltpu.VMEM((_BPW,), jnp.int32),
        pltpu.VMEM((_BPW, _D), jnp.bfloat16),
        pltpu.VMEM((_BPW, _D), jnp.bfloat16),
        pltpu.SemaphoreType.DMA,
        pltpu.SemaphoreType.DMA,
    ],
)(_gmf_body)


def kernel(user_ids, item_ids, user_table, item_table):
    prod = _gmf(user_ids.astype(jnp.int32), item_ids.astype(jnp.int32),
                user_table.astype(jnp.bfloat16),
                item_table.astype(jnp.bfloat16))
    return prod.astype(jnp.float32)

# --- scband reference (transcript-rebuilt; emitter-appended) ---
"""Pipeline reference for scband-gmflayer-40621800685606 (READ-ONLY COPY).

The authoritative reference and input builder live on the scoring server;
editing this copy changes nothing except your own understanding.
"""

import jax, jax.numpy as jnp
import numpy as np

NUM_USERS = 1000000
NUM_ITEMS = 1000000
EMB_SIZE = 32
BATCH = 16384


def setup_inputs(seed: int = 0) -> dict:
    key = jax.random.key(seed)
    k_u, k_i, k_ut, k_it = jax.random.split(key, 4)
    user_ids = jax.random.randint(k_u, (BATCH,), 0, NUM_USERS, dtype=jnp.int64 if jax.config.jax_enable_x64 else jnp.int32)
    item_ids = jax.random.randint(k_i, (BATCH,), 0, NUM_ITEMS, dtype=jnp.int64 if jax.config.jax_enable_x64 else jnp.int32)
    # Embedding tables initialized ~ RandomNormal(stddev=0.01)
    user_table = jax.random.normal(k_ut, (NUM_USERS, EMB_SIZE), dtype=jnp.float32) * 0.01
    item_table = jax.random.normal(k_it, (NUM_ITEMS, EMB_SIZE), dtype=jnp.float32) * 0.01
    return {"user_ids": user_ids, "item_ids": item_ids, "user_table": user_table, "item_table": item_table}


def reference(user_ids, item_ids, user_table, item_table):
    # GMF: elementwise product of user and item embeddings
    user_emb = jnp.take(user_table, user_ids, axis=0)
    item_emb = jnp.take(item_table, item_ids, axis=0)
    return user_emb * item_emb

if __name__ == "__main__":
    import jax
    _d = setup_inputs()
    print(jax.jit(kernel)(*tuple(_d.values())))

</pallas_src>

<mosaic_0001>
#map = affine_map<(d0, d1) -> (0)>
#map1 = affine_map<(d0, d1) -> (0, 0)>
module attributes {stable_mosaic.version = 14 : i64} {
  func.func @_gmf_body(%arg0: i32, %arg1: i32, %arg2: memref<16384xi32, #tpu.memory_space<hbm>>, %arg3: memref<16384xi32, #tpu.memory_space<hbm>>, %arg4: memref<1000000x32xbf16, #tpu.memory_space<hbm>>, %arg5: memref<1000000x32xbf16, #tpu.memory_space<hbm>>, %arg6: memref<16384x32xbf16, #tpu.memory_space<hbm>>, %arg7: memref<512xi32, #tpu.memory_space<vmem>>, %arg8: memref<512xi32, #tpu.memory_space<vmem>>, %arg9: memref<512x32xbf16, #tpu.memory_space<vmem>>, %arg10: memref<512x32xbf16, #tpu.memory_space<vmem>>, %arg11: memref<!tpu.dma_semaphore, #tpu.memory_space<semaphore_mem>>, %arg12: memref<!tpu.dma_semaphore, #tpu.memory_space<semaphore_mem>>) attributes {dimension_semantics = [#tpu.dimension_semantics<core_parallel>, #tpu.dimension_semantics<subcore_parallel>], iteration_bounds = array<i64: 2, 16>, scalar_prefetch = 0 : i64, scratch_operands = 6 : i64, tpu.core_type = #tpu.core_type<sc_vector_subcore>, window_params = [{transform_indices = #map}, {transform_indices = #map}, {transform_indices = #map1}, {transform_indices = #map1}, {transform_indices = #map1}]} {
    %mul3A = arith.constant 2 : i32
    %mul3A_0 = arith.muli %arg1, %mul3A : i32
    %add3A = arith.addi %mul3A_0, %arg0 : i32
    %mul3A_1 = arith.constant 512 : i32
    %mul3A_2 = arith.muli %add3A, %mul3A_1 : i32
    "tpu.region"() ({
      %run_scoped3A = tpu.sem_alloc : memref<!tpu.dma_semaphore, #tpu.memory_space<semaphore_mem>>
      %dma_start3A_18 = tpu.memref_slice %arg2[%mul3A_2] : memref<16384xi32, #tpu.memory_space<hbm>> -> memref<512xi32, #tpu.memory_space<hbm>>
      %dma_start3A_19 = tpu.memref_slice %arg2[%mul3A_2] : memref<16384xi32, #tpu.memory_space<hbm>> -> memref<512xi32, #tpu.memory_space<hbm>>
      tpu.enqueue_dma source(%dma_start3A_19 : memref<512xi32, #tpu.memory_space<hbm>>) target(%arg7 : memref<512xi32, #tpu.memory_space<vmem>>) target_semaphore(%run_scoped3A : memref<!tpu.dma_semaphore, #tpu.memory_space<semaphore_mem>>)
      %dma_wait3A_20 = tpu.memref_slice %arg2[%mul3A_2] : memref<16384xi32, #tpu.memory_space<hbm>> -> memref<512xi32, #tpu.memory_space<hbm>>
      %dma_wait3A_21 = tpu.memref_slice %arg2[%mul3A_2] : memref<16384xi32, #tpu.memory_space<hbm>> -> memref<512xi32, #tpu.memory_space<hbm>>
      tpu.wait_dma2 semaphore(%run_scoped3A : memref<!tpu.dma_semaphore, #tpu.memory_space<semaphore_mem>>) src(%dma_wait3A_21 : memref<512xi32, #tpu.memory_space<hbm>>) dst(%arg7 : memref<512xi32, #tpu.memory_space<vmem>>)
      tpu.yield
    }) : () -> ()
    "tpu.region"() ({
      %run_scoped3A = tpu.sem_alloc : memref<!tpu.dma_semaphore, #tpu.memory_space<semaphore_mem>>
      %dma_start3A_18 = tpu.memref_slice %arg3[%mul3A_2] : memref<16384xi32, #tpu.memory_space<hbm>> -> memref<512xi32, #tpu.memory_space<hbm>>
      %dma_start3A_19 = tpu.memref_slice %arg3[%mul3A_2] : memref<16384xi32, #tpu.memory_space<hbm>> -> memref<512xi32, #tpu.memory_space<hbm>>
      tpu.enqueue_dma source(%dma_start3A_19 : memref<512xi32, #tpu.memory_space<hbm>>) target(%arg8 : memref<512xi32, #tpu.memory_space<vmem>>) target_semaphore(%run_scoped3A : memref<!tpu.dma_semaphore, #tpu.memory_space<semaphore_mem>>)
      %dma_wait3A_20 = tpu.memref_slice %arg3[%mul3A_2] : memref<16384xi32, #tpu.memory_space<hbm>> -> memref<512xi32, #tpu.memory_space<hbm>>
      %dma_wait3A_21 = tpu.memref_slice %arg3[%mul3A_2] : memref<16384xi32, #tpu.memory_space<hbm>> -> memref<512xi32, #tpu.memory_space<hbm>>
      tpu.wait_dma2 semaphore(%run_scoped3A : memref<!tpu.dma_semaphore, #tpu.memory_space<semaphore_mem>>) src(%dma_wait3A_21 : memref<512xi32, #tpu.memory_space<hbm>>) dst(%arg8 : memref<512xi32, #tpu.memory_space<vmem>>)
      tpu.yield
    }) : () -> ()
    %dma_start3A = arith.constant 0 : i32
    %dma_start3A_3 = arith.constant 0 : i32
    %dma_start3A_4 = tpu.memref_slice %arg4[%dma_start3A, %dma_start3A_3] : memref<1000000x32xbf16, #tpu.memory_space<hbm>> -> memref<1000000x32xbf16, #tpu.memory_space<hbm>>
    tpu.enqueue_indirect_dma source(%dma_start3A_4 : memref<1000000x32xbf16, #tpu.memory_space<hbm>>) target(%arg9 : memref<512x32xbf16, #tpu.memory_space<vmem>>) offsets(%arg7 : memref<512xi32, #tpu.memory_space<vmem>>) semaphore(%arg11 : memref<!tpu.dma_semaphore, #tpu.memory_space<semaphore_mem>>)
    %dma_start3A_5 = arith.constant 0 : i32
    %dma_start3A_6 = arith.constant 0 : i32
    %dma_start3A_7 = tpu.memref_slice %arg5[%dma_start3A_5, %dma_start3A_6] : memref<1000000x32xbf16, #tpu.memory_space<hbm>> -> memref<1000000x32xbf16, #tpu.memory_space<hbm>>
    tpu.enqueue_indirect_dma source(%dma_start3A_7 : memref<1000000x32xbf16, #tpu.memory_space<hbm>>) target(%arg10 : memref<512x32xbf16, #tpu.memory_space<vmem>>) offsets(%arg8 : memref<512xi32, #tpu.memory_space<vmem>>) semaphore(%arg12 : memref<!tpu.dma_semaphore, #tpu.memory_space<semaphore_mem>>)
    %dma_wait3A = arith.constant 0 : i32
    %dma_wait3A_8 = arith.constant 0 : i32
    %dma_wait3A_9 = tpu.memref_slice %arg4[%dma_wait3A, %dma_wait3A_8] : memref<1000000x32xbf16, #tpu.memory_space<hbm>> -> memref<1000000x32xbf16, #tpu.memory_space<hbm>>
    tpu.wait_indirect_dma semaphore(%arg11 : memref<!tpu.dma_semaphore, #tpu.memory_space<semaphore_mem>>) src(%dma_wait3A_9 : memref<1000000x32xbf16, #tpu.memory_space<hbm>>) dst(%arg9 : memref<512x32xbf16, #tpu.memory_space<vmem>>)
    %dma_wait3A_10 = arith.constant 0 : i32
    %dma_wait3A_11 = arith.constant 0 : i32
    %dma_wait3A_12 = tpu.memref_slice %arg5[%dma_wait3A_10, %dma_wait3A_11] : memref<1000000x32xbf16, #tpu.memory_space<hbm>> -> memref<1000000x32xbf16, #tpu.memory_space<hbm>>
    tpu.wait_indirect_dma semaphore(%arg12 : memref<!tpu.dma_semaphore, #tpu.memory_space<semaphore_mem>>) src(%dma_wait3A_12 : memref<1000000x32xbf16, #tpu.memory_space<hbm>>) dst(%arg10 : memref<512x32xbf16, #tpu.memory_space<vmem>>)
    %scan3A = arith.constant 0 : i32
    %scan3A_13 = arith.constant 0 : i32
    %scan3A_14 = arith.constant 512 : i32
    %scan3A_15 = arith.addi %scan3A_13, %scan3A_14 : i32
    %scan3A_16 = arith.constant 1 : i32
    scf.for %scan3A_18 = %scan3A_13 to %scan3A_15 step %scan3A_16  : i32 {
      %get3A = arith.index_cast %scan3A_18 : i32 to index
      %get3A_19 = arith.constant 0 : index
      %get3A_20 = tpu.vector_load %arg9[%get3A, %get3A_19] {strides = array<i32>} : memref<512x32xbf16, #tpu.memory_space<vmem>>, vector<1x32xbf16>,
      %get3A_21 = vector.shape_cast %get3A_20 : vector<1x32xbf16> to vector<32xbf16>
      %get3A_22 = arith.index_cast %scan3A_18 : i32 to index
      %get3A_23 = arith.constant 0 : index
      %get3A_24 = tpu.vector_load %arg10[%get3A_22, %get3A_23] {strides = array<i32>} : memref<512x32xbf16, #tpu.memory_space<vmem>>, vector<1x32xbf16>,
      %get3A_25 = vector.shape_cast %get3A_24 : vector<1x32xbf16> to vector<32xbf16>
      %mul3A_26 = arith.mulf %get3A_21, %get3A_25 : vector<32xbf16>
      %swap3A = arith.index_cast %scan3A_18 : i32 to index
      %swap3A_27 = arith.constant 0 : index
      %swap3A_28 = tpu.vector_load %arg9[%swap3A, %swap3A_27] {strides = array<i32>} : memref<512x32xbf16, #tpu.memory_space<vmem>>, vector<1x32xbf16>,
      %swap3A_29 = vector.shape_cast %swap3A_28 : vector<1x32xbf16> to vector<32xbf16>
      %swap3A_30 = vector.shape_cast %mul3A_26 : vector<32xbf16> to vector<1x32xbf16>
      tpu.vector_store %arg9[%swap3A, %swap3A_27], %swap3A_30 {strides = array<i32>} : memref<512x32xbf16, #tpu.memory_space<vmem>>, vector<1x32xbf16>,
    }
    %scan3A_17 = arith.constant 512 : i32
    "tpu.region"() ({
      %run_scoped3A = tpu.sem_alloc : memref<!tpu.dma_semaphore, #tpu.memory_space<semaphore_mem>>
      %dma_start3A_18 = arith.constant 0 : i32
      %dma_start3A_19 = tpu.memref_slice %arg6[%mul3A_2, %dma_start3A_18] : memref<16384x32xbf16, #tpu.memory_space<hbm>> -> memref<512x32xbf16, #tpu.memory_space<hbm>>
      %dma_start3A_20 = arith.constant 0 : i32
      %dma_start3A_21 = tpu.memref_slice %arg6[%mul3A_2, %dma_start3A_20] : memref<16384x32xbf16, #tpu.memory_space<hbm>> -> memref<512x32xbf16, #tpu.memory_space<hbm>>
      tpu.enqueue_dma source(%arg9 : memref<512x32xbf16, #tpu.memory_space<vmem>>) target(%dma_start3A_21 : memref<512x32xbf16, #tpu.memory_space<hbm>>) target_semaphore(%run_scoped3A : memref<!tpu.dma_semaphore, #tpu.memory_space<semaphore_mem>>)
      %dma_wait3A_22 = arith.constant 0 : i32
      %dma_wait3A_23 = tpu.memref_slice %arg6[%mul3A_2, %dma_wait3A_22] : memref<16384x32xbf16, #tpu.memory_space<hbm>> -> memref<512x32xbf16, #tpu.memory_space<hbm>>
      %dma_wait3A_24 = arith.constant 0 : i32
      %dma_wait3A_25 = tpu.memref_slice %arg6[%mul3A_2, %dma_wait3A_24] : memref<16384x32xbf16, #tpu.memory_space<hbm>> -> memref<512x32xbf16, #tpu.memory_space<hbm>>
      tpu.wait_dma2 semaphore(%run_scoped3A : memref<!tpu.dma_semaphore, #tpu.memory_space<semaphore_mem>>) src(%arg9 : memref<512x32xbf16, #tpu.memory_space<vmem>>) dst(%dma_wait3A_25 : memref<512x32xbf16, #tpu.memory_space<hbm>>)
      tpu.yield
    }) : () -> ()
    return
  }
}

</mosaic_0001>

<sc_bundles>
// kernel: kernel.3.cloned.1.call-start
scs
__scs_entry_jumppad:
0x0: {  	(pc) =	sbr.rel $0x88, $3  }
0x1: {  	(tag) =	ssettag $0x0;
	lr =	simm.s32 $0x1  }
0x2: {  	[smem:$0x3F9D] =	sst lr;
	_ =	strace $0xD0000000  }
0x3: {  	_ = 	snop  }
0x4: {  	_ = 	snop  }
0x5: {  	_ = 	snop  }
0x6: {  	_ = 	snop  }
0x7: {  	_ = 	snop  }
__scs_overlays_trampoline_lowered:
0x8: {  	[smem:$0x3FAC] =	sst s0  }
0x9: {  	[smem:$0x3FAD] =	sst s1  }
0xa: {  	[smem:$0x3FAE] =	sst s2  }
0xb: {  	[smem:$0x3FAF] =	sst s3  }
0xc: {  	[smem:$0x3FB0] =	sst s4  }
0xd: {  	[smem:$0x3FB1] =	sst s5  }
0xe: {  	[smem:$0x3FB2] =	sst s6  }
0xf: {  	[smem:$0x3FB3] =	sst s7  }
0x10: {  	[smem:$0x3FB4] =	sst s8  }
0x11: {  	[smem:$0x3FB5] =	sst s9;
	s0 =	simm.s32 @!p0 $0x0  }
0x12: {  	s1 =	sld [smem:$0x3F9B];
	s0 =	simm.s32 @p0 $0x1  }
0x13: {  	[smem:$0x3FB6] =	sst s0;
	s0 =	simm.s32 @!p1 $0x0  }
0x14: {  	s2 =	sld [smem:$0x3F9A];
	s0 =	simm.s32 @p1 $0x1  }
0x15: {  	[smem:$0x3FB7] =	sst s0;
	s0 =	simm.s32 @!p2 $0x0  }
0x16: {  	s3 =	sld [smem:$0x3FDB];
	s0 =	simm.s32 @p2 $0x1  }
0x17: {  	s4 =	simm.s32 $0x1BF5;
	[smem:$0x3FB9] =	sst s0  }
0x18: {  	s0 =	sld [smem:$0x3F9C];
	_ =	swait.ge [sflag:s4], $0x0  }
0x19: {  	s7 =	sld [smem:$0x3F9D]  }
0x1a: {  	s8 =	sadd.s32 $0xFFFFE003, lr  }
0x1b: {  	s9 =	sadd.s32 $0xFFFFFEF7, lr;
	s5 =	simm.s32 $0xFFFFFFFF;
	p2 =	slt.u32 s8, $0xFFFFF086  }
0x1c: {  	p1 =	slt.u32 s9, $0xF7A;
	s5 =	simm.s32 @!p2 $0x0  }
0x1d: {  	s5 =	simm.s32 @p1 $0x1;
	p0 =	seq.s32 s7, s2  }
0x1e: {  	s7 =	smul.u32 @!p0 $0xF7A, s2;
	p2 =	seq.s32 @!p0 s5, $0x0  }
0x1f: {  	s9 =	smul.u32 $0xF7A, s1;
	s8 =	simm.s32 @!p0 $0x1BF5;
	p2 =	por !p2, p0  }
0x20: {  	[sflag:s8] =	ssyncset.s32 @!p0 $0xFFFFF086;
	s6 =	sadd.s32 @!p0 s3, s7;
	s7 =	simm.s32 @!p0 $0x108  }
0x21: {  	s3 =	sadd.s32 s3, s9;
	s6 =	sadd.s32 @!p0 $0x88, s6;
	s7 =	simm.s32 @p2 $0x1082  }
0x22: {  	[simem:s7], [sflag:s8] =	dma.local @!p0 [hbm:s6], $0xF7A  }
0x23: {  	s9 =	sor.u32 $0xD0000000, s2;
	s6 =	simm.s32 $0x108;
	_ =	swait.ge @!p0 [sflag:s8], $0x0  }
0x24: {  	s3 =	sadd.s32 $0x88, s3;
	s6 =	simm.s32 @!p1 $0x1082;
	[sflag:s4] =	ssyncset.s32 $0xFFFFF086  }
0x25: {  	[simem:s6], [sflag:s4] =	dma.local [hbm:s3], $0xF7A  }
0x26: {  	[smem:$0x3F9D] =	sst s1;
	(tag) =	ssettag s2;
	_ =	strace s9  }
0x27: {  	s1 =	sld [smem:$0x3FAD]  }
0x28: {  	s2 =	sld [smem:$0x3FAE]  }
0x29: {  	s4 =	sld [smem:$0x3FB0]  }
0x2a: {  	p0 =	seq.s32 s5, $0x0;
	s5 =	sld [smem:$0x3FB1]  }
0x2b: {  	s6 =	sld [smem:$0x3FB2]  }
0x2c: {  	s7 =	sld [smem:$0x3FB3]  }
0x2d: {  	s3 =	simm.s32 $0x108;
	s8 =	sld [smem:$0x3FB4]  }
0x2e: {  	s3 =	simm.s32 @!p0 $0x1082;
	s9 =	sld [smem:$0x3FB5]  }
0x2f: {  	lr =	sadd.s32 s0, s3;
	s0 =	sld [smem:$0x3FAC]  }
0x30: {  	s3 =	sld [smem:$0x3FAF]  }
0x31: {  	[smem:$0x3FB8] =	sst s10  }
0x32: {  	s10 =	sld [smem:$0x3FB6];
	_ =	sdelay $0x3  }
0x33: {  	p0 =	seq.s32 s10, $0x1;
	s10 =	sld [smem:$0x3FB8];
	_ =	sdelay $0x3  }
0x34: {  	[smem:$0x3FB8] =	sst s10  }
0x35: {  	s10 =	sld [smem:$0x3FB7];
	_ =	sdelay $0x3  }
0x36: {  	p1 =	seq.s32 s10, $0x1;
	s10 =	sld [smem:$0x3FB8];
	_ =	sdelay $0x3  }
0x37: {  	[smem:$0x3FB8] =	sst s10  }
0x38: {  	s10 =	sld [smem:$0x3FB9]  }
0x39: {  	_ = 	snop;
	(pc) =	sbr.ind lr, $3  }
0x3a: {  	_ = 	snop  }
0x3b: {  	_ = 	snop  }
0x3c: {  	p2 =	seq.s32 s10, $0x1;
	s10 =	sld [smem:$0x3FB8]  }
0x3d: {  	_ =	shalt  }
0x3e: {  	_ =	shalt  }
0x3f: {  	_ =	shalt  }
0x40: {  	_ =	shalt  }
0x41: {  	_ =	shalt  }
0x42: {  	_ =	shalt  }
0x43: {  	_ =	shalt  }
0x44: {  	_ =	shalt  }
0x45: {  	_ =	shalt  }
0x46: {  	_ =	shalt  }
0x47: {  	_ =	shalt  }
0x48: {  	_ =	shalt  }
0x49: {  	_ =	shalt  }
0x4a: {  	_ =	shalt  }
0x4b: {  	_ =	shalt  }
0x4c: {  	_ =	shalt  }
0x4d: {  	_ =	shalt  }
0x4e: {  	_ =	shalt  }
0x4f: {  	_ =	shalt  }
0x50: {  	_ =	shalt  }
0x51: {  	_ =	shalt  }
0x52: {  	_ =	shalt  }
0x53: {  	_ =	shalt  }
0x54: {  	_ =	shalt  }
0x55: {  	_ =	shalt  }
0x56: {  	_ =	shalt  }
0x57: {  	_ =	shalt  }
0x58: {  	_ =	shalt  }
0x59: {  	_ =	shalt  }
0x5a: {  	_ =	shalt  }
0x5b: {  	_ =	shalt  }
0x5c: {  	_ =	shalt  }
0x5d: {  	_ =	shalt  }
0x5e: {  	_ =	shalt  }
0x5f: {  	_ =	shalt  }
0x60: {  	_ =	shalt  }
0x61: {  	_ =	shalt  }
0x62: {  	_ =	shalt  }
0x63: {  	_ =	shalt  }
0x64: {  	_ =	shalt  }
0x65: {  	_ =	shalt  }
0x66: {  	_ =	shalt  }
0x67: {  	_ =	shalt  }
0x68: {  	_ =	shalt  }
0x69: {  	_ =	shalt  }
0x6a: {  	_ =	shalt  }
0x6b: {  	_ =	shalt  }
0x6c: {  	_ =	shalt  }
0x6d: {  	_ =	shalt  }
0x6e: {  	_ =	shalt  }
0x6f: {  	_ =	shalt  }
0x70: {  	_ =	shalt  }
0x71: {  	_ =	shalt  }
0x72: {  	_ =	shalt  }
0x73: {  	_ =	shalt  }
0x74: {  	_ =	shalt  }
0x75: {  	_ =	shalt  }
0x76: {  	_ =	shalt  }
0x77: {  	_ =	shalt  }
0x78: {  	_ =	shalt  }
0x79: {  	_ =	shalt  }
0x7a: {  	_ =	shalt  }
0x7b: {  	_ =	shalt  }
0x7c: {  	_ =	shalt  }
0x7d: {  	_ =	shalt  }
0x7e: {  	_ =	shalt  }
0x7f: {  	_ =	shalt  }
0x80: {  	_ =	shalt  }
0x81: {  	_ =	shalt  }
0x82: {  	_ =	shalt  }
0x83: {  	_ =	shalt  }
0x84: {  	_ =	shalt  }
0x85: {  	_ =	shalt  }
0x86: {  	_ =	shalt  }
0x87: {  	_ =	shalt  }
.Lfunc_end0:
.L_simem_size_0:
called_computation.4_lowered:
.L_overlay_start_0:
0x88: {  	s2 =	sld [smem:$0x3FD9]  }
0x89: {  	s3 =	sld [smem:$0x3FFE];
	_ =	sdelay $0x1  }
0x8a: {  	s1 =	srdreg.scid  }
0x8b: {  	s0 =	sand.u32 $0x1, s1  }
0x8c: {  	s17 =	sshll.u32 s0, $0xA;
	s2 =	sadd.s32 s3, s2  }
0x8d: {  	s2 =	sadd.s32 s2, s17  }
0x8e: {  	[smem:$0x3FC4] =	sst s2  }
0x8f: {  	_ = 	snop  }
0x90: {  	s2 =	sld [smem:$0x3FC9]  }
0x91: {  	s18 =	sld [smem:$0x3FC8]  }
0x92: {  	s4 =	sld [smem:$0x3FD0];
	(tm) =	ssettm $0x1  }
0x93: {  	s5 =	sld [smem:$0x3FFB];
	_ =	sdelay $0x3  }
0x94: {  	_ =	strace s5  }
0x95: {  	s5 =	sld [smem:$0x3FFC];
	_ =	sdelay $0x3  }
0x96: {  	_ =	strace s5  }
0x97: {  	s5 =	sld [smem:$0x3FFD];
	_ =	sdelay $0x3  }
0x98: {  	_ =	strace s5  }
0x99: {  	_ =	strace $0x8FFFFFFF  }
0x9a: {  	s19 =	sld [smem:$0x3FDB];
	_ =	sdelay $0x1  }
0x9b: {  	s6 =	simm.s32 $_scs_section_size  }
0x9c: {  	s7 =	simm.s32 $_size__tile_overlayer_lowered;
	s8 =	simm.s32 $_tile_overlayer_lowered  }
0x9d: {  	s22 =	simm.s32 $0x1BFF;
	s21 =	sshll.u32 s8, $0x1;
	s5 =	sadd.s32 s6, s19  }
0x9e: {  	s9 =	simm.s32 $0x0;
	s20 =	sshll.u32 s7, $0x1;
	s7 =	sadd.s32 s21, s5  }
0x9f: {  	[timem:s9], [sflag:s22] =	dma.local [hbm:s7], s20  }
0xa0: {  	_ =	swait.ge [sflag:s22], s20  }
0xa1: {  	s6 =	ssub.s32 $0x0, s20;
	[sflag:s22] =	ssyncset.done $0x0  }
0xa2: {  	[sflag:s22] =	ssyncadd.s32 s6;
	_ =	sdelay $0x1  }
0xa3: {  	s23 =	simm.s32 $0x1B8B  }
0xa4: {  	_ =	swait.ge [sflag:s23], $0x1  }
0xa5: {  	[sflag:s23] =	ssyncset.done $0x0  }
0xa6: {  	s25 =	simm.s32 $0x1B8E;
	s24 =	sld [smem:$0x3FFE];
	[sflag:s23] =	ssyncadd.s32 $0xFFFFFFFF  }
0xa7: {  	s26 =	simm.s32 $execute0_lowered;
	[smem:$0x3FD2] =	sst s25  }
0xa8: {  	s7 =	sshll.u32 s26, $0x1;
	_ =	strace $0x80000052;
	[dreg:$0x1] =	wrdreg $0xFFFFFFFF  }
0xa9: {  	s28 =	simm.s32 $_size_execute0_lowered;
	s5 =	sadd.s32 s5, s7;
	[dreg:$0x0] =	wrdreg $0x0  }
0xaa: {  	s7 =	sshll.u32 s28, $0x1;
	[dreg:$0x2] =	wrdreg s5  }
0xab: {  	[dreg:$0x3] =	wrdreg s7  }
0xac: {  	[dreg:$0x4] =	wrdreg $0xC0  }
0xad: {  	_ =	task [dreg:s9], $0x5FFFF  }
0xae: {  	[dreg:$0x1] =	wrdreg $0xFFFFFFFF  }
0xaf: {  	[dreg:$0x0] =	wrdreg $0x60  }
0xb0: {  	[dreg:$0x2] =	wrdreg s2  }
0xb1: {  	[dreg:$0x3] =	wrdreg s18  }
0xb2: {  	[dreg:$0x4] =	wrdreg s24  }
0xb3: {  	[dreg:$0x5] =	wrdreg s4  }
0xb4: {  	[dreg:$0x6] =	wrdreg $0x9  }
0xb5: {  	_ =	task.clear_ibuf [dreg:s9], $0x7FFFF;
	_ =	strace $0x90000052  }
0xb6: {  	s29 =	simm.s32 $0x9;
	_ =	strace $0x80000054  }
0xb7: {  	_ =	swait.ge [sflag:s29], $0x1  }
0xb8: {  	[sflag:s29] =	ssyncadd.s32 $0xFFFFFFFF  }
0xb9: {  	_ =	strace $0x90000054  }
0xba: {  	_ =	sfence  }
0xbb: {  	s30 =	sld [smem:$0x0];
	_ =	sdelay $0x2  }
0xbc: {  	s31 =	sshll.u32 s1, $0xD;
	s1 =	sshrl.u32 s1, $0x2  }
0xbd: {  	s3 =	sand.u32 $0x4000, s31;
	s1 =	sadd.s32 s1, s30  }
0xbe: {  	s0 =	sor.u32 s3, s0;
	s1 =	sshll.u32 s1, $0x11  }
0xbf: {  	s0 =	sor.u32 s1, s0  }
0xc0: {  	s0 =	sadd.s32 $0x8F2B, s0  }
0xc1: {  	[sflag:s0] =	ssyncadd.remote.s32 $0x1  }
0xc2: {  	_ =	sfence.sel $0xFFFF  }
0xc3: {  	[dreg:$0x0] =	wrdreg $0xFFFFFFFF;
	(pc) =	sbr.abs _section_cstart, $3  }
0xc4: {  	[dreg:$0x1] =	wrdreg $0xFFFFFFFF  }
0xc5: {  	_ =	task.clear_ibuf [dreg:s9], $0x2FFFF;
	_ =	strace $0x9FFFFFFF  }
0xc6: {  	(tm) =	ssettm $0x7FFFFFFF  }
0xc7: {  	_ =	shalt  }
tec
execute0_lowered:
.L_overlay_start_1:
0x0: {  	(tag) =	ssettag $0x1  }
0x1: {  	s5 =	rddreg [dreg:$0x0]  }
0x2: {  	s6 =	rddreg [dreg:$0x1]  }
0x3: {  	s4 =	rddreg [dreg:$0x2]  }
0x4: {  	s7 =	rddreg [dreg:$0x3]  }
0x5: {  	s0 =	rddreg [dreg:$0x4]  }
0x6: {  	s2 =	simm.s32 $0x0;
	s3 =	srdreg.scid;
	s1 =	stileid.u32  }
0x7: {  	s12 =	simm.s32 $0x2400;
	s13 =	simm.s32 $0x1;
	s14 =	simm.s32 $0x2  }
0x8: {  	s15 =	simm.s32 $0x0;
	[smem:$0x7FF] =	sst s2;
	s3 =	sand.u32 $0x1, s3  }
0x9: {  	s9 =	sshll.u32 s1, $0xA;
	_ =	strace $0x80000053;
	s8 =	ssub.s32 $0x2, s3  }
0xa: {  	s10 =	sshll.u32 s3, $0x9;
	s3 =	sadd.s32 $0x3D2000, s4;
	s11 =	sshrl.u32 s8, $0x1  }
0xb: {  	s4 =	sadd.s32 $0x1400, s4;
	s9 =	sor.u32 s10, s9;
	s8 =	ssub.s32 s8, s11  }
0xc: {  	s10 =	sshrl.u32 s9, $0x3;
	s9 =	sshll.u32 s9, $0x1;
	s11 =	simm.s32 $0x400  }
0xd: {  	s5 =	sadd.s32 s5, s10;
	s6 =	sadd.s32 s6, s10;
	s7 =	sadd.s32 s7, s9  }
0xe: {  	s8 =	smax.u32 s8, $0x1;
	s9 =	simm.s32 $0x3;
	s10 =	simm.s32 $0x200  }
.LBB2_1:
0xf: {  	[tilespmem:s2], [sflag:$0x3] =	stream.linear.gather [hbm4b:s5+s2], $0x200, $0x38;
	[tilespmem:$0x4400] =	vst v63  }
0x10: {  	_ =	swait.ge [sflag:s9], $0x200  }
0x11: {  	[sflag:s9] =	ssyncset.done $0x0  }
0x12: {  	[sflag:s9] =	ssyncadd.s32 $0xFFFFFE00  }
0x13: {  	[tilespmem:s10], [sflag:$0x3] =	stream.linear.gather [hbm4b:s6+s2], $0x200, $0x38;
	[tilespmem:$0x4400] =	vst v63  }
0x14: {  	_ =	swait.ge [sflag:s9], $0x200  }
0x15: {  	[sflag:s9] =	ssyncset.done $0x0  }
0x16: {  	[sflag:s9] =	ssyncadd.s32 $0xFFFFFE00  }
0x17: {  	[tilespmem:s11], [sflag:$0x1] =	stream.indirect.gather [hbm4b:s3+s10], $0x10, s2, s10, $0xb8;
	[tilespmem:$0x4400] =	vst v63  }
0x18: {  	_ = 	snop  }
0x19: {  	[tilespmem:s12], [sflag:$0x2] =	stream.indirect.gather [hbm4b:s4+s10], $0x10, s10, s10, $0xb8;
	[tilespmem:$0x4400] =	vst v63  }
0x1a: {  	_ =	swait.ge [sflag:s13], $0x2000  }
0x1b: {  	[sflag:s13] =	ssyncset.done $0x0  }
0x1c: {  	[sflag:s13] =	ssyncadd.s32 $0xFFFFE000  }
0x1d: {  	_ =	swait.ge [sflag:s14], $0x2000  }
0x1e: {  	[sflag:s14] =	ssyncset.done $0x0  }
0x1f: {  	s16 =	simm.s32 $0x0;
	[sflag:s14] =	ssyncadd.s32 $0xFFFFE000  }
0x20: {  	s17 =	simm.s32 $0x40;
	v0 =	vld [tilespmem:s16+$0x2400]  }
.LBB2_2:
0x21: {  	p0 =	sne.s32 s17, $0x7FC0;
	v1 =	vld [tilespmem:s16+$0x400];
	_ =	sdelay $0x2  }
.Ltmp0:
0x22: {  	(pc) =	sbr.rel @p0 .LBB2_2-.Ltmp0, $4  }
0x23: {  	_ = 	snop  }
0x24: {  	v1 =	vmul.bf16 v0, v1  }
0x25: {  	s18 =	sshra.s32 s17, $0x2  }
0x26: {  	s17 =	sadd.s32 $0x40, s17;
	v0 =	vld [tilespmem:s18+$0x2400];
	[tilespmem:s16+$0x400] =	vst v1;
	s16 =	smov.u32 s18  }
0x27: {  	v1 =	vld [tilespmem:s16+$0x400];
	_ =	sdelay $0x4  }
0x28: {  	s15 =	sadd.s32 $0x1, s15;
	v0 =	vmul.bf16 v0, v1  }
0x29: {  	p0 =	sne.s32 s15, s8  }
.Ltmp1:
0x2a: {  	[tilespmem:s16+$0x400] =	vst v0;
	(pc) =	sbr.rel @p0 .LBB2_1-.Ltmp1, $4  }
0x2b: {  	[hbm4b:s7+s2] =	stream.linear.scatter [tilespmem:s11], [sflag:$0x3], $0x2000, $0x38;
	[tilespmem:$0x4400] =	vst v63  }
0x2c: {  	_ =	swait.ge [sflag:s9], $0x2000  }
0x2d: {  	[sflag:s9] =	ssyncset.done $0x0  }
0x2e: {  	[sflag:s9] =	ssyncadd.s32 $0xFFFFE000  }
0x2f: {  	_ =	sfence.sel $0x180000  }
0x30: {  	[bflag:$0x0] =	sbarrier.arrive $0xFFFF  }
0x31: {  	p0 =	sne.s32 s1, $0x0;
	_ =	strace $0x90000053  }
0x32: {  	s0 =	sadd.s32 @!p0 $0x100000, s0;
	[bflag:$0x2] =	sbarrier.arrive $0xFFFF  }
0x33: {  	[sflag:s0] =	ssyncadd.tile.s32 @!p0 $0x1;
	_ =	shalt  }
.Lfunc_end2:
_tile_overlayer_lowered:
.L_overlay_start_2:
0x34: {  	(tag) =	ssettag $0x2  }
0x35: {  	s0 =	rddreg [dreg:$0x0];
	s2 =	stileid.u32  }
0x36: {  	s1 =	rddreg [dreg:$0x1];
	p0 =	sne.s32 s2, $0x0  }
0x37: {  	s3 =	rddreg [dreg:$0x2];
	[bflag:$0x3] =	sbarrier.arrive $0xFFFF;
	s2 =	simm.s32 @!p0 $0x1C03  }
0x38: {  	[timem:s3], [sflag:s2] =	dma.local @!p0 [hbm:s0], s1  }
0x39: {  	s0 =	simm.s32 @!p0 $0x3  }
0x3a: {  	_ =	swait.ge @!p0 [sflag:s0], s1  }
0x3b: {  	s1 =	ssub.s32 @!p0 $0x0, s1;
	[sflag:s0] =	ssyncset.done @!p0 $0x0  }
0x3c: {  	[sflag:s0] =	ssyncadd.s32 @!p0 s1  }
0x3d: {  	[bflag:$0x3] =	sbarrier.arrive $0xFFFF  }
0x3e: {  	_ =	shalt  }

// kernel: sparse-core-data-format-call.1.cloned.1.call-start
scs
called_computation.1_lowered:
.L_overlay_start_0:
0x0: {  	s1 =	sld [smem:$0x3FD9]  }
0x1: {  	s2 =	sld [smem:$0x3FFE];
	_ =	sdelay $0x1  }
0x2: {  	s3 =	srdreg.scid  }
0x3: {  	s0 =	sand.u32 $0x1, s3  }
0x4: {  	s17 =	sshll.u32 s0, $0xA;
	s1 =	sadd.s32 s2, s1  }
0x5: {  	s1 =	sadd.s32 s1, s17  }
0x6: {  	[smem:$0x3FC4] =	sst s1  }
0x7: {  	_ = 	snop  }
0x8: {  	(tm) =	ssettm $0x1  }
0x9: {  	s18 =	sld [smem:$0x3FFB];
	_ =	sdelay $0x3  }
0xa: {  	_ =	strace s18  }
0xb: {  	s1 =	sld [smem:$0x3FFC];
	_ =	sdelay $0x3  }
0xc: {  	_ =	strace s1  }
0xd: {  	s1 =	sld [smem:$0x3FFD];
	_ =	sdelay $0x3  }
0xe: {  	_ =	strace s1  }
0xf: {  	_ =	strace $0x8FFFFFFF  }
0x10: {  	s19 =	sld [smem:$0x3FDB];
	_ =	sdelay $0x1  }
0x11: {  	s20 =	simm.s32 $_scs_section_size  }
0x12: {  	s4 =	simm.s32 $_size__tile_overlayer_lowered;
	s5 =	simm.s32 $_tile_overlayer_lowered  }
0x13: {  	s23 =	simm.s32 $0x1BFF;
	s22 =	sshll.u32 s5, $0x1;
	s1 =	sadd.s32 s20, s19  }
0x14: {  	s6 =	simm.s32 $0x0;
	s21 =	sshll.u32 s4, $0x1;
	s4 =	sadd.s32 s22, s1  }
0x15: {  	[timem:s6], [sflag:s23] =	dma.local [hbm:s4], s21  }
0x16: {  	_ =	swait.ge [sflag:s23], s21  }
0x17: {  	s2 =	ssub.s32 $0x0, s21;
	[sflag:s23] =	ssyncset.done $0x0  }
0x18: {  	[sflag:s23] =	ssyncadd.s32 s2;
	_ =	sdelay $0x1  }
0x19: {  	s24 =	simm.s32 $0x1B8B  }
0x1a: {  	_ =	swait.ge [sflag:s24], $0x1  }
0x1b: {  	[sflag:s24] =	ssyncset.done $0x0  }
0x1c: {  	s26 =	simm.s32 $0x1B8E;
	s25 =	sld [smem:$0x3FFE];
	[sflag:s24] =	ssyncadd.s32 $0xFFFFFFFF  }
0x1d: {  	s27 =	simm.s32 $execute0_lowered;
	[smem:$0x3FD2] =	sst s26  }
0x1e: {  	s4 =	sshll.u32 s27, $0x1;
	_ =	strace $0x80000046;
	[dreg:$0x1] =	wrdreg $0xFFFFFFFF  }
0x1f: {  	s28 =	simm.s32 $_size_execute0_lowered;
	s1 =	sadd.s32 s1, s4;
	[dreg:$0x0] =	wrdreg $0x0  }
0x20: {  	s4 =	sshll.u32 s28, $0x1;
	[dreg:$0x2] =	wrdreg s1  }
0x21: {  	[dreg:$0x3] =	wrdreg s4  }
0x22: {  	[dreg:$0x4] =	wrdreg $0xC0  }
0x23: {  	_ =	task [dreg:s6], $0x5FFFF  }
0x24: {  	[dreg:$0x1] =	wrdreg $0xFFFFFFFF  }
0x25: {  	[dreg:$0x0] =	wrdreg $0x60  }
0x26: {  	[dreg:$0x2] =	wrdreg s25  }
0x27: {  	[dreg:$0x3] =	wrdreg $0x9  }
0x28: {  	_ =	task.clear_ibuf [dreg:s6], $0x4FFFF;
	_ =	strace $0x90000046  }
0x29: {  	s29 =	simm.s32 $0x9;
	_ =	strace $0x80000048  }
0x2a: {  	_ =	swait.ge [sflag:s29], $0x1  }
0x2b: {  	[sflag:s29] =	ssyncadd.s32 $0xFFFFFFFF  }
0x2c: {  	_ =	strace $0x90000048  }
0x2d: {  	_ =	sfence  }
0x2e: {  	s30 =	sld [smem:$0x0];
	_ =	sdelay $0x2  }
0x2f: {  	s31 =	sshll.u32 s3, $0xD;
	s3 =	sshrl.u32 s3, $0x2  }
0x30: {  	s2 =	sand.u32 $0x4000, s31;
	s1 =	sadd.s32 s3, s30  }
0x31: {  	s0 =	sor.u32 s2, s0;
	s1 =	sshll.u32 s1, $0x11  }
0x32: {  	s0 =	sor.u32 s1, s0  }
0x33: {  	s0 =	sadd.s32 $0x8F2B, s0  }
0x34: {  	[sflag:s0] =	ssyncadd.remote.s32 $0x1  }
0x35: {  	_ =	sfence.sel $0xFFFF  }
0x36: {  	[dreg:$0x0] =	wrdreg $0xFFFFFFFF;
	(pc) =	sbr.abs _section_cstart, $3  }
0x37: {  	[dreg:$0x1] =	wrdreg $0xFFFFFFFF  }
0x38: {  	_ =	task.clear_ibuf [dreg:s6], $0x2FFFF;
	_ =	strace $0x9FFFFFFF  }
0x39: {  	(tm) =	ssettm $0x7FFFFFFF  }
tec
execute0_lowered:
.L_overlay_start_1:
0x0: {  	(tag) =	ssettag $0x1  }
0x1: {  	s0 =	srdreg.scid  }
0x2: {  	s5 =	rddreg [dreg:$0x0];
	s1 =	stileid.u32;
	s4 =	simm.s32 $0x1  }
0x3: {  	s6 =	simm.s32 $0x2;
	s15 =	simm.s32 $0x0;
	p0 =	por $0x0, $0x0  }
0x4: {  	s8 =	simm.s32 $0x80;
	s14 =	simm.s32 $0x0;
	s2 =	sshll.u32 s0, $0x4  }
0x5: {  	s9 =	simm.s32 $0x0;
	s10 =	simm.s32 $0x0;
	s2 =	sand.u32 $0x10, s2  }
.Ltmp0:
0x6: {  	s12 =	simm.s32 $0x0;
	s3 =	sor.u32 s1, s2;
	(pc) =	sbr.rel .LBB1_1-.Ltmp0, $4  }
0x7: {  	s0 =	rddreg [dreg:$0x1];
	_ =	strace $0x80000047;
	s3 =	sshll.u32 s3, $0x7  }
0x8: {  	s13 =	simm.s32 $0x0;
	[sflag:s4] =	ssyncpa.u1 $0x0;
	s7 =	ssub.s32 $0xF4200, s3  }
0x9: {  	s2 =	sadd.s32 $0x1400, s5;
	[sflag:s6] =	ssyncpa.u1 $0x0;
	s6 =	sshrl.u32 s7, $0xC  }
0xa: {  	s5 =	sadd.s32 $0x1E9A00, s5;
	s11 =	smov.u32 s3;
	s7 =	sadd.s32 $0x2, s6  }
.LBB1_5:
0xb: {  	p1 =	slt.u32 s13, $0x2  }
0xc: {  	s17 =	smov.u32 s15;
	p2 =	sgt.s32 @!p1 s15, $0xF41C0;
	s16 =	sshra.s32 @!p1 s15, $0x1F  }
0xd: {  	p3 =	sgt.s32 @!p1 s14, $0x60;
	s18 =	sshra.s32 @!p1 s14, $0x1F;
	p2 =	por !p2, p1  }
0xe: {  	s15 =	sand.u32 @!p1 s16, s15;
	p3 =	por !p3, p1;
	s16 =	smov.u32 s14  }
0xf: {  	s14 =	sand.u32 @!p1 s18, s14;
	s17 =	simm.s32 @p2 $0xF41C0;
	s16 =	simm.s32 @p3 $0x60  }
0x10: {  	s15 =	ssub.s32 @!p1 s17, s15;
	s14 =	ssub.s32 @!p1 s16, s14  }
0x11: {  	s18 =	smov.u32 s12;
	s16 =	sadd.s32 @!p1 $0xFFF0BE40, s15;
	s17 =	sadd.s32 @!p1 $0xFFFFFFA0, s14  }
0x12: {  	s15 =	ssub.s32 @!p1 $0xF4240, s15;
	p2 =	sgt.s32 @!p1 s16, $0x7F;
	p3 =	sgt.s32 @!p1 s17, $0x1F  }
0x13: {  	s14 =	ssub.s32 @!p1 $0x80, s14;
	p2 =	por !p2, p1;
	p3 =	por !p3, p1  }
0x14: {  	s16 =	sadd.s32 $0x1000, s11;
	s15 =	simm.s32 @!p2 $0x0;
	s14 =	simm.s32 @!p3 $0x0  }
0x15: {  	p2 =	sgt.s32 s16, $0xF423F;
	s14 =	smul.u32 @!p1 s14, s15;
	s15 =	sadd.s32 $0x20, s12  }
0x16: {  	s18 =	smov.u32 @p2 s15  }
0x17: {  	s16 =	smov.u32 @p2 s3;
	p2 =	sgt.s32 s18, $0x1F  }
0x18: {  	p0 =	por !p0, !p0;
	s18 =	simm.s32 @p2 $0x0;
	p2 =	sne.s32 s13, s7  }
.Ltmp1:
0x19: {  	s17 =	simm.s32 @!p1 $0x2;
	s14 =	sshrl.u32 @!p1 s14, $0x1;
	(pc) =	sbr.rel @!p2 .LBB1_6-.Ltmp1, $4  }
0x1a: {  	s15 =	smov.u32 s9;
	s9 =	smov.u32 s11;
	s14 =	sand.u32 @!p1 $0x3FFFFFFF, s14  }
0x1b: {  	s11 =	smov.u32 s16;
	s13 =	sadd.s32 $0x1, s13;
	_ =	swait.ge @!p1 [sflag:s17], s14  }
0x1c: {  	s19 =	ssub.s32 @!p1 $0x0, s14;
	s14 =	smov.u32 s10;
	[sflag:s17] =	ssyncset.done @!p1 $0x0  }
0x1d: {  	s10 =	smov.u32 s12;
	s12 =	smov.u32 s18;
	[sflag:s17] =	ssyncadd.s32 @!p1 s19  }
.LBB1_1:
0x1e: {  	p1 =	sgt.u32 s13, s6  }
0x1f: {  	s16 =	sshrl.u32 @!p1 s12, $0x3  }
0x20: {  	s17 =	sshll.u32 @!p1 s11, $0x3;
	s16 =	smul.u32 @!p1 $0x7A1400, s16  }
0x21: {  	s18 =	sshll.u32 @!p1 s12, $0x7;
	s17 =	sand.u32 @!p1 $0xFFFFFC00, s17  }
0x22: {  	s16 =	sadd.s32 @!p1 s16, s17;
	s17 =	sand.u32 @!p1 $0x300, s18;
	s18 =	sshll.u32 @!p1 s11, $0x1  }
0x23: {  	s16 =	sor.u32 @!p1 s17, s16;
	s17 =	sand.u32 @!p1 $0xFE, s18  }
0x24: {  	s18 =	sand.u32 @!p1 $0x1, s12;
	s16 =	sor.u32 @!p1 s17, s16  }
0x25: {  	s17 =	sor.u32 @!p1 s18, s16  }
0x26: {  	s18 =	smulhi.u32 @!p1 $0x218D6287, s17;
	_ =	sdelay $0x1  }
0x27: {  	s16 =	smulhi.u32 @!p1 $0x218D6287, s16;
	s18 =	sshrl.u32 @!p1 s18, $0x11  }
0x28: {  	s18 =	smul.u32 @!p1 $0xF4280, s18  }
0x29: {  	s16 =	sshrl.u32 @!p1 s16, $0x11  }
0x2a: {  	s16 =	sand.u32 @!p1 $0x1F, s16;
	s17 =	ssub.s32 @!p1 s17, s18  }
0x2b: {  	s16 =	smul.u32 @!p1 $0xF428, s16;
	s18 =	sshrl.u32 @!p1 s17, $0x4  }
0x2c: {  	s19 =	sxor.u32 @!p1 $0xFFFFFFFF, s13;
	s17 =	sshll.u32 @!p1 s17, $0x11;
	s18 =	sadd.s32 @!p1 s2, s18  }
0x2d: {  	s17 =	sand.u32 @!p1 $0x1C0000, s17;
	s16 =	sadd.s32 @!p1 s16, s18;
	s18 =	sshll.u32 @!p1 s19, $0xB  }
0x2e: {  	s17 =	sor.u32 @!p1 $0x200, s17;
	s19 =	simm.s32 @!p1 $0x3D0A00;
	s18 =	sand.u32 @!p1 $0x800, s18  }
0x2f: {  	[tilespmem:s18], [sflag:$0x1] =	stream.strided.gather @!p1 [hbm4b:s16+s17], $0x800, s19, s17, $0x38;
	[tilespmem:$0x2080] =	vst v63  }
0x30: {  	p1 =	seq.s32 s13, $0x0  }
0x31: {  	p2 =	sge.u32 @!p1 s13, s7  }
0x32: {  	p1 =	por p1, p2  }
.Ltmp2:
0x33: {  	_ = 	snop;
	(pc) =	sbr.rel @p1 .LBB1_5-.Ltmp2, $1  }
0x34: {  	_ =	sdelay $0x3  }
0x35: {  	s16 =	simm.s32 $0x1  }
0x36: {  	_ =	swait.ge [sflag:s4], $0x800;
	s16 =	simm.s32 @!p0 $0x0  }
0x37: {  	[sflag:s4] =	ssyncset.done $0x0;
	s16 =	sshll.u32 s16, $0xB  }
0x38: {  	[sflag:s4] =	ssyncadd.s32 $0xFFFFF800;
	s16 =	sor.u32 $0x40, s16  }
0x39: {  	v0 =	vld [tilespmem:s16+$0x20]  }
0x3a: {  	v1 =	vld [tilespmem:s16+$0x30]  }
0x3b: {  	v2 =	vld [tilespmem:s16+$0xFFFFFFD0]  }
0x3c: {  	v5 =	vld [tilespmem:s16+$0x0]  }
0x3d: {  	v6 =	vld [tilespmem:s16+$0x10]  }
0x3e: {  	s17 =	sand.u32 $0x1, s13;
	v3 =	vld [tilespmem:s16+$0xFFFFFFE0]  }
0x3f: {  	s17 =	smul.u32 $0x2100, s17;
	v4 =	vld [tilespmem:s16+$0xFFFFFFF0]  }
0x40: {  	s18 =	simm.s32 $0x0;
	v1 =	vperm.xlane.i2c.b16 v1  }
0x41: {  	s19 =	sand.u32 $0x1C, s18;
	s17 =	sshrl.u32 s17, $0x2;
	v8 =	vld [tilespmem:s16+$0xFFFFFFC0];
	s20 =	sadd.s32 $0x80, s16;
	v7 =	vperm.xlane.i2c.b16 v0;
	v0 =	vperm.xlane.i2c.b16 v2  }
0x42: {  	s30 =	sand.u32 $0x20, s18;
	s31 =	sshrl.u32 s19, $0x1;
	s16 =	sor.u32 $0x1000, s17;
	v11 =	vld [tilespmem:s20+$0x30];
	v10 =	vperm.xlane.i2c.b16 v5;
	v13 =	vperm.xlane.i2c.b16 v6  }
0x43: {  	s17 =	sshrl.u32 s30, $0x1;
	s18 =	sadd.s32 s31, s16;
	v2 =	vld [tilespmem:s20+$0x20];
	v3 =	vperm.xlane.i2c.b16 v3;
	v9 =	vcombine.low v7, v1  }
0x44: {  	v12 =	vld [tilespmem:s20+$0xFFFFFFD0];
	s17 =	sadd.s32 s17, s18;
	v4 =	vperm.xlane.i2c.b16 v4;
	v14 =	vcombine.low v10, v13  }
0x45: {  	v1 =	vcombine.high v7, v1;
	v7 =	vld [tilespmem:s20+$0xFFFFFFE0];
	[tilespmem:s17+$0x630 ss:$0x21] =	vst.msk $0xffff, v9  }
0x46: {  	v6 =	vld [tilespmem:s20+$0xFFFFFFF0];
	v5 =	vperm.xlane.i2c.b16 v8;
	v9 =	vcombine.low v3, v4;
	[tilespmem:s17+$0x420 ss:$0x21] =	vst.msk $0xffff, v14  }
0x47: {  	s18 =	simm.s32 $0x4;
	v8 =	vperm.xlane.i2c.b16 v11;
	[tilespmem:s17+$0x631 ss:$0x21] =	vst.msk $0xffff, v1;
	v1 =	vcombine.high v3, v4;
	v4 =	vld [tilespmem:s20+$0x0]  }
0x48: {  	s19 =	simm.s32 $0x2;
	s22 =	sand.u32 $0x1C, s18;
	v10 =	vcombine.high v10, v13;
	v3 =	vld [tilespmem:s20+$0x10];
	[tilespmem:s17+$0x210 ss:$0x21] =	vst.msk $0xffff, v9;
	v9 =	vperm.xlane.i2c.b16 v2  }
0x49: {  	s21 =	sand.u32 $0x20, s18;
	s22 =	sshrl.u32 s22, $0x1;
	v11 =	vcombine.low v5, v0;
	v2 =	vld [tilespmem:s20+$0xFFFFFFC0];
	s20 =	sadd.s32 $0x80, s20;
	[tilespmem:s17+$0x211 ss:$0x21] =	vst.msk $0xffff, v1;
	v1 =	vperm.xlane.i2c.b16 v12  }
.LBB1_3:
0x4a: {  	v12 =	vld [tilespmem:s20+$0x20];
	s22 =	sadd.s32 s22, s16;
	s21 =	sshrl.u32 s21, $0x1;
	v13 =	vperm.xlane.i2c.b16 v7;
	v7 =	vcombine.low v9, v8;
	[tilespmem:s17+$0x421 ss:$0x21] =	vst.msk $0xffff, v10  }
0x4b: {  	s19 =	sadd.s32 $0x2, s19;
	v14 =	vld [tilespmem:s20+$0x30];
	s21 =	sadd.s32 s21, s22;
	v10 =	vperm.xlane.i2c.b16 v6;
	v6 =	vcombine.high v9, v8;
	[tilespmem:s17+$0x0 ss:$0x21] =	vst.msk $0xffff, v11  }
0x4c: {  	p1 =	slt.u32 s19, $0x1E;
	v11 =	vld [tilespmem:s20+$0xFFFFFFD0];
	v8 =	vperm.xlane.i2c.b16 v4;
	[tilespmem:s21+$0x630 ss:$0x21] =	vst.msk $0xffff, v7;
	v4 =	vcombine.high v5, v0;
	v0 =	vmov v1  }
.Ltmp3:
0x4d: {  	v7 =	vld [tilespmem:s20+$0xFFFFFFE0];
	v1 =	vcombine.low v13, v10;
	v3 =	vperm.xlane.i2c.b16 v3;
	[tilespmem:s21+$0x631 ss:$0x21] =	vst.msk $0xffff, v6;
	(pc) =	sbr.rel @p1 .LBB1_3-.Ltmp3, $4  }
0x4e: {  	v6 =	vld [tilespmem:s20+$0xFFFFFFF0];
	v5 =	vperm.xlane.i2c.b16 v2;
	v2 =	vcombine.high v13, v10;
	[tilespmem:s17+$0x1 ss:$0x21] =	vst.msk $0xffff, v4;
	s17 =	smov.u32 s21  }
0x4f: {  	s18 =	sadd.s32 $0x4, s18;
	v4 =	vld [tilespmem:s20+$0x0];
	[tilespmem:s17+$0x210 ss:$0x21] =	vst.msk $0xffff, v1;
	v13 =	vcombine.low v8, v3;
	v10 =	vcombine.high v8, v3  }
0x50: {  	s22 =	sand.u32 $0x1C, s18;
	v9 =	vperm.xlane.i2c.b16 v12;
	v3 =	vld [tilespmem:s20+$0x10];
	v8 =	vperm.xlane.i2c.b16 v14;
	[tilespmem:s17+$0x211 ss:$0x21] =	vst.msk $0xffff, v2  }
0x51: {  	s22 =	sshrl.u32 s22, $0x1;
	s21 =	sand.u32 $0x20, s18;
	v2 =	vld [tilespmem:s20+$0xFFFFFFC0];
	v1 =	vperm.xlane.i2c.b16 v11;
	s20 =	sadd.s32 $0x80, s20;
	v11 =	vcombine.low v5, v0;
	[tilespmem:s17+$0x420 ss:$0x21] =	vst.msk $0xffff, v13  }
0x52: {  	s18 =	sadd.s32 s22, s16;
	s19 =	sshll.u32 s9, $0x7;
	s20 =	sshll.u32 s10, $0x3  }
0x53: {  	s21 =	sshrl.u32 s21, $0x1;
	s24 =	sshll.u32 s10, $0x1;
	p1 =	sgt.s32 s9, $0xF41C0  }
0x54: {  	s22 =	smov.u32 s9;
	s26 =	sshra.s32 s9, $0x1F;
	s23 =	sand.u32 $0xFFFFFC00, s19  }
0x55: {  	s20 =	sand.u32 $0xFFFFFC00, s20;
	s19 =	sand.u32 $0x300, s19;
	s25 =	sand.u32 $0x80, s24  }
0x56: {  	s18 =	sadd.s32 s21, s18;
	s22 =	simm.s32 @!p1 $0xF41C0;
	p1 =	sgt.s32 s10, $0x60  }
0x57: {  	s21 =	smov.u32 s10;
	s20 =	sadd.s32 s20, s23;
	s23 =	sshra.s32 s10, $0x1F  }
0x58: {  	s21 =	simm.s32 @!p1 $0x60;
	s19 =	sor.u32 s19, s20;
	s20 =	sand.u32 s26, s9  }
0x59: {  	v7 =	vperm.xlane.i2c.b16 v7;
	[tilespmem:s17+$0x421 ss:$0x21] =	vst.msk $0xffff, v10;
	v0 =	vcombine.high v5, v0;
	s23 =	sand.u32 s23, s10;
	s19 =	sor.u32 s25, s19;
	s20 =	ssub.s32 s22, s20  }
0x5a: {  	v57 =	vcombine.low v9, v8;
	v6 =	vperm.xlane.i2c.b16 v6;
	[tilespmem:s17+$0x0 ss:$0x21] =	vst.msk $0xffff, v11;
	s21 =	ssub.s32 s21, s23;
	s19 =	sshrl.u32 s19, $0x7;
	s22 =	sadd.s32 $0xFFF0BE40, s20  }
0x5b: {  	v58 =	vcombine.high v9, v8;
	v4 =	vperm.xlane.i2c.b16 v4;
	[tilespmem:s17+$0x1 ss:$0x21] =	vst.msk $0xffff, v0;
	s23 =	sadd.s32 $0xFFFFFFA0, s21;
	s20 =	ssub.s32 $0xF4240, s20;
	s21 =	ssub.s32 $0x80, s21  }
0x5c: {  	[tilespmem:s18+$0x630 ss:$0x21] =	vst.msk $0xffff, v57;
	v59 =	vcombine.low v7, v6;
	v3 =	vperm.xlane.i2c.b16 v3;
	s27 =	smulhi.u32 $0x218DEF5, s19;
	p1 =	sgt.s32 s22, $0x7F;
	p2 =	sgt.s32 s23, $0x1F  }
0x5d: {  	[tilespmem:s18+$0x631 ss:$0x21] =	vst.msk $0xffff, v58;
	v60 =	vcombine.high v7, v6;
	s20 =	simm.s32 @p1 $0x0;
	s21 =	simm.s32 @p2 $0x0  }
0x5e: {  	v2 =	vperm.xlane.i2c.b16 v2;
	[tilespmem:s18+$0x210 ss:$0x21] =	vst.msk $0xffff, v59;
	v61 =	vcombine.low v4, v3;
	s17 =	sshrl.u32 s27, $0xD;
	s20 =	smul.u32 s21, s20  }
0x5f: {  	v3 =	vcombine.high v4, v3;
	[tilespmem:s18+$0x211 ss:$0x21] =	vst.msk $0xffff, v60;
	s17 =	smul.u32 $0xF4240, s17  }
.Ltmp4:
0x60: {  	s28 =	sshrl.u32 s10, $0x3;
	s29 =	sand.u32 $0x7, s10;
	v62 =	vcombine.low v2, v1;
	[tilespmem:s18+$0x420 ss:$0x21] =	vst.msk $0xffff, v61;
	(pc) =	sbr.rel .LBB1_5-.Ltmp4, $4  }
0x61: {  	v63 =	vcombine.high v2, v1;
	[tilespmem:s18+$0x421 ss:$0x21] =	vst.msk $0xffff, v3;
	s21 =	sshll.u32 s29, $0x12;
	s17 =	ssub.s32 s19, s17;
	s19 =	sand.u32 $0x7, s28  }
0x62: {  	[tilespmem:s18+$0x0 ss:$0x21] =	vst.msk $0xffff, v62;
	s20 =	sshrl.u32 s20, $0x1;
	s17 =	sshll.u32 s17, $0x3;
	s19 =	sadd.s32 s5, s19  }
0x63: {  	[tilespmem:s18+$0x1 ss:$0x21] =	vst.msk $0xffff, v63;
	s31 =	sor.u32 $0x20, s21;
	s30 =	sand.u32 $0x3FFFFFFF, s20;
	s17 =	sadd.s32 s17, s19  }
0x64: {  	[hbm4b:s17+s31] =	stream.strided.scatter [tilespmem:s16], [sflag:$0x2], s30, s8, s31, $0x10;
	[tilespmem:$0x2080] =	vst v63  }
.LBB1_6:
0x65: {  	_ =	sfence.sel $0x180000  }
0x66: {  	s2 =	simm.s32 $0x1;
	[bflag:$0x0] =	sbarrier.arrive $0xFFFF  }
0x67: {  	s31 =	simm.s32 $0x2;
	[sflag:s2] =	ssyncpa.u1 $0x1  }
0x68: {  	[sflag:s31] =	ssyncpa.u1 $0x1  }
0x69: {  	p0 =	sne.s32 s1, $0x0;
	_ =	strace $0x90000047  }
0x6a: {  	s0 =	sadd.s32 @!p0 $0x100000, s0;
	[bflag:$0x2] =	sbarrier.arrive $0xFFFF  }
0x6b: {  	[sflag:s0] =	ssyncadd.tile.s32 @!p0 $0x1;
	_ =	shalt  }
.Lfunc_end1:
_tile_overlayer_lowered:
.L_overlay_start_2:
0x6c: {  	(tag) =	ssettag $0x2  }
0x6d: {  	s0 =	rddreg [dreg:$0x0];
	s2 =	stileid.u32  }
0x6e: {  	s1 =	rddreg [dreg:$0x1];
	p0 =	sne.s32 s2, $0x0  }
0x6f: {  	s3 =	rddreg [dreg:$0x2];
	[bflag:$0x3] =	sbarrier.arrive $0xFFFF;
	s2 =	simm.s32 @!p0 $0x1C01  }
0x70: {  	[timem:s3], [sflag:s2] =	dma.local @!p0 [hbm:s0], s1  }
0x71: {  	s0 =	simm.s32 @!p0 $0x1  }
0x72: {  	_ =	swait.ge @!p0 [sflag:s0], s1  }
0x73: {  	s1 =	ssub.s32 @!p0 $0x0, s1;
	[sflag:s0] =	ssyncset.done @!p0 $0x0  }
0x74: {  	[sflag:s0] =	ssyncadd.s32 @!p0 s1  }
0x75: {  	[bflag:$0x3] =	sbarrier.arrive $0xFFFF  }
0x76: {  	_ =	shalt  }

// kernel: sparse-core-data-format-call.2.cloned.1.call-start
scs
called_computation.2_lowered:
.L_overlay_start_0:
0x0: {  	s2 =	sld [smem:$0x3FD9]  }
0x1: {  	s3 =	sld [smem:$0x3FFE];
	_ =	sdelay $0x1  }
0x2: {  	s1 =	srdreg.scid  }
0x3: {  	s0 =	sand.u32 $0x1, s1  }
0x4: {  	s18 =	sshll.u32 s0, $0xA;
	s2 =	sadd.s32 s3, s2  }
0x5: {  	s2 =	sadd.s32 s2, s18  }
0x6: {  	[smem:$0x3FC4] =	sst s2  }
0x7: {  	_ = 	snop  }
0x8: {  	(tm) =	ssettm $0x1  }
0x9: {  	s19 =	sld [smem:$0x3FFB];
	_ =	sdelay $0x3  }
0xa: {  	_ =	strace s19  }
0xb: {  	s2 =	sld [smem:$0x3FFC];
	_ =	sdelay $0x3  }
0xc: {  	_ =	strace s2  }
0xd: {  	s2 =	sld [smem:$0x3FFD];
	_ =	sdelay $0x3  }
0xe: {  	_ =	strace s2  }
0xf: {  	_ =	strace $0x8FFFFFFF  }
0x10: {  	s20 =	sld [smem:$0x3FDB];
	_ =	sdelay $0x1  }
0x11: {  	s21 =	simm.s32 $_scs_section_size  }
0x12: {  	s4 =	simm.s32 $_size__tile_overlayer_lowered;
	s5 =	simm.s32 $_tile_overlayer_lowered  }
0x13: {  	s6 =	simm.s32 $0x1BFF;
	s22 =	sshll.u32 s5, $0x1;
	s3 =	sadd.s32 s21, s20  }
0x14: {  	s23 =	simm.s32 $0x0;
	s4 =	sshll.u32 s4, $0x1;
	s5 =	sadd.s32 s22, s3  }
0x15: {  	[timem:s23], [sflag:s6] =	dma.local [hbm:s5], s4  }
0x16: {  	_ =	swait.ge [sflag:s6], s4  }
0x17: {  	s4 =	ssub.s32 $0x0, s4;
	[sflag:s6] =	ssyncset.done $0x0  }
0x18: {  	[sflag:s6] =	ssyncadd.s32 s4;
	_ =	sdelay $0x1  }
0x19: {  	s24 =	simm.s32 $0x1B8B  }
0x1a: {  	_ =	swait.ge [sflag:s24], $0x1  }
0x1b: {  	[sflag:s24] =	ssyncset.done $0x0  }
0x1c: {  	[sflag:s24] =	ssyncadd.s32 $0xFFFFFFFF  }
0x1d: {  	s4 =	sld [smem:$0x0]  }
0x1e: {  	s5 =	sand.u32 $0xFFFFFFFE, s1  }
0x1f: {  	p0 =	sne.s32 s1, s5  }
0x20: {  	s5 =	sshll.u32 @p0 s5, $0xE  }
0x21: {  	s5 =	sadd.s32 @p0 $0x11B8D, s5;
	s6 =	sshll.u32 @p0 s4, $0x11  }
0x22: {  	s5 =	sor.u32 @p0 s6, s5  }
0x23: {  	[sflag:s5] =	ssyncadd.remote.s32 @p0 $0x1;
	_ =	sdelay $0x1  }
0x24: {  	s5 =	simm.s32 @p0 $0x1B8D  }
0x25: {  	_ =	swait.eq @p0 [sflag:s5], $0x1  }
0x26: {  	[sflag:s5] =	ssyncadd.s32 @p0 $0xFFFFFFFF  }
0x27: {  	s6 =	sshll.u32 @!p0 s1, $0xE  }
0x28: {  	s6 =	sor.u32 @!p0 $0x4000, s6;
	s5 =	simm.s32 @!p0 $0x1B8D  }
0x29: {  	s4 =	sshll.u32 @!p0 s4, $0x11;
	s6 =	sadd.s32 @!p0 $0x11B8D, s6;
	_ =	swait.eq @!p0 [sflag:s5], $0x1  }
0x2a: {  	s4 =	sor.u32 @!p0 s4, s6;
	[sflag:s5] =	ssyncadd.s32 @!p0 $0xFFFFFFFF  }
0x2b: {  	s26 =	simm.s32 $0x1B8E;
	s25 =	sld [smem:$0x3FFE];
	[sflag:s4] =	ssyncadd.remote.s32 @!p0 $0x1  }
0x2c: {  	s27 =	simm.s32 $execute0_lowered;
	[smem:$0x3FD2] =	sst s26  }
0x2d: {  	s5 =	sshll.u32 s27, $0x1;
	_ =	strace $0x8000004F;
	[dreg:$0x1] =	wrdreg $0xFFFFFFFF  }
0x2e: {  	s28 =	simm.s32 $_size_execute0_lowered;
	s3 =	sadd.s32 s3, s5;
	[dreg:$0x0] =	wrdreg $0x0  }
0x2f: {  	s5 =	sshll.u32 s28, $0x1;
	[dreg:$0x2] =	wrdreg s3  }
0x30: {  	[dreg:$0x3] =	wrdreg s5  }
0x31: {  	[dreg:$0x4] =	wrdreg $0xC0  }
0x32: {  	_ =	task [dreg:s23], $0x5FFFF  }
0x33: {  	[dreg:$0x1] =	wrdreg $0xFFFFFFFF  }
0x34: {  	[dreg:$0x0] =	wrdreg $0x60  }
0x35: {  	[dreg:$0x2] =	wrdreg s25  }
0x36: {  	[dreg:$0x3] =	wrdreg $0xA  }
0x37: {  	_ =	task.clear_ibuf [dreg:s23], $0x4FFFF;
	_ =	strace $0x9000004F  }
0x38: {  	s29 =	simm.s32 $0xA;
	_ =	strace $0x80000051  }
0x39: {  	_ =	swait.ge [sflag:s29], $0x1  }
0x3a: {  	[sflag:s29] =	ssyncadd.s32 $0xFFFFFFFF  }
0x3b: {  	_ =	strace $0x90000051  }
0x3c: {  	_ =	sfence  }
0x3d: {  	s30 =	sld [smem:$0x0];
	_ =	sdelay $0x2  }
0x3e: {  	s31 =	sshll.u32 s1, $0xD;
	s1 =	sshrl.u32 s1, $0x2  }
0x3f: {  	s4 =	sand.u32 $0x4000, s31;
	s1 =	sadd.s32 s1, s30  }
0x40: {  	s0 =	sor.u32 s4, s0;
	s1 =	sshll.u32 s1, $0x11  }
0x41: {  	s0 =	sor.u32 s1, s0  }
0x42: {  	s0 =	sadd.s32 $0x8F2B, s0  }
0x43: {  	[sflag:s0] =	ssyncadd.remote.s32 $0x1  }
0x44: {  	_ =	sfence.sel $0xFFFF  }
0x45: {  	[dreg:$0x0] =	wrdreg $0xFFFFFFFF;
	(pc) =	sbr.abs _section_cstart, $3  }
0x46: {  	[dreg:$0x1] =	wrdreg $0xFFFFFFFF  }
0x47: {  	_ =	task.clear_ibuf [dreg:s23], $0x2FFFF;
	_ =	strace $0x9FFFFFFF  }
0x48: {  	(tm) =	ssettm $0x7FFFFFFF  }
0x49: {  	_ =	shalt  }
tec
execute0_lowered:
.L_overlay_start_1:
0x0: {  	(tag) =	ssettag $0x1  }
0x1: {  	s0 =	srdreg.scid  }
0x2: {  	s5 =	rddreg [dreg:$0x0];
	s1 =	stileid.u32;
	s4 =	simm.s32 $0x1  }
0x3: {  	s6 =	simm.s32 $0x2;
	s8 =	simm.s32 $0x0;
	s2 =	sshll.u32 s0, $0x4  }
0x4: {  	s9 =	simm.s32 $0x0;
	s13 =	simm.s32 $0x0;
	s2 =	sand.u32 $0x10, s2  }
.Ltmp0:
0x5: {  	s10 =	simm.s32 $0x0;
	s3 =	sor.u32 s1, s2;
	(pc) =	sbr.rel .LBB1_1-.Ltmp0, $4  }
0x6: {  	s0 =	rddreg [dreg:$0x1];
	_ =	strace $0x80000050;
	s3 =	sshll.u32 s3, $0x4  }
0x7: {  	s12 =	simm.s32 $0x0;
	[sflag:s4] =	ssyncpa.u1 $0x0;
	s7 =	ssub.s32 $0x3D00, s3  }
0x8: {  	s2 =	sadd.s32 $0x5BA600, s5;
	[sflag:s6] =	ssyncpa.u1 $0x0;
	s6 =	sshrl.u32 s7, $0x9  }
0x9: {  	s5 =	sadd.s32 $0x3D2000, s5;
	s11 =	smov.u32 s3;
	s7 =	sadd.s32 $0x2, s6  }
.LBB1_7:
0xa: {  	s15 =	sshll.u32 s12, $0xF  }
0xb: {  	s15 =	sand.u32 $0x8000, s15  }
0xc: {  	s16 =	sshll.u32 s10, $0x7;
	s15 =	sshrl.u32 s15, $0x1  }
0xd: {  	s16 =	sadd.s32 s5, s16;
	s15 =	sor.u32 $0x8000, s15  }
0xe: {  	[hbm4b:s16+s8] =	stream.linear.scatter [tilespmem:s15], [sflag:$0x2], s14, $0x38;
	[tilespmem:$0x10000] =	vst v63  }
.LBB1_8:
0xf: {  	p0 =	slt.u32 s12, $0x2  }
0x10: {  	p1 =	sgt.s32 @!p0 s13, $0x3CF9  }
0x11: {  	s14 =	smov.u32 s13;
	s15 =	sshra.s32 @!p0 s13, $0x1F;
	p1 =	por !p1, p0  }
0x12: {  	s13 =	sand.u32 @!p0 s15, s13;
	s14 =	simm.s32 @p1 $0x3CF9  }
0x13: {  	s13 =	ssub.s32 @!p0 s14, s13  }
0x14: {  	s13 =	sadd.s32 @!p0 $0xFFFFC307, s13  }
0x15: {  	s14 =	sshll.u32 @!p0 s13, $0xC  }
0x16: {  	p1 =	sgt.s32 @!p0 s13, $0xF;
	s13 =	ssub.s32 @!p0 $0x10000, s14  }
0x17: {  	s15 =	sadd.s32 $0x200, s11;
	p1 =	por !p1, p0;
	s13 =	sshrl.u32 @!p0 s13, $0x2  }
0x18: {  	s13 =	simm.s32 @!p1 $0x0;
	p1 =	sgt.s32 s15, $0x3D08  }
0x19: {  	s15 =	smov.u32 @p1 s3;
	p1 =	sne.s32 s12, s7  }
.Ltmp1:
0x1a: {  	_ = 	snop;
	(pc) =	sbr.rel @!p1 .LBB1_9-.Ltmp1, $4  }
0x1b: {  	s14 =	simm.s32 @!p0 $0x2  }
0x1c: {  	s9 =	sadd.s32 $0x8000, s9;
	_ =	swait.ge @!p0 [sflag:s14], s13;
	s16 =	ssub.s32 @!p0 $0x0, s13  }
0x1d: {  	s13 =	smov.u32 s10;
	s12 =	sadd.s32 $0x1, s12;
	[sflag:s14] =	ssyncset.done @!p0 $0x0  }
0x1e: {  	s10 =	smov.u32 s11;
	s11 =	smov.u32 s15;
	[sflag:s14] =	ssyncadd.s32 @!p0 s16  }
.LBB1_1:
0x1f: {  	p0 =	sgt.u32 s12, s6  }
0x20: {  	p1 =	sgt.s32 @!p0 s11, $0x3CF9  }
0x21: {  	s14 =	smov.u32 s11;
	s15 =	sshra.s32 @!p0 s11, $0x1F;
	p1 =	por !p1, p0  }
0x22: {  	s15 =	sand.u32 @!p0 s15, s11;
	s14 =	simm.s32 @p1 $0x3CF9  }
0x23: {  	s14 =	ssub.s32 @!p0 s14, s15  }
0x24: {  	s14 =	sadd.s32 @!p0 $0xFFFFC307, s14  }
0x25: {  	s16 =	sshll.u32 @!p0 s11, $0x7;
	s17 =	simm.s32 @!p0 $0x0;
	s15 =	sshll.u32 @!p0 s14, $0xC  }
0x26: {  	p1 =	sgt.s32 @!p0 s14, $0xF;
	s14 =	ssub.s32 @!p0 $0x10000, s15;
	s15 =	sxor.u32 @!p0 $0xFFFFFFFF, s12  }
0x27: {  	p1 =	por !p1, p0;
	s14 =	sshrl.u32 @!p0 s14, $0x2;
	s15 =	sshll.u32 @!p0 s15, $0xE  }
0x28: {  	s16 =	sadd.s32 @!p0 s2, s16;
	s14 =	simm.s32 @!p1 $0x0;
	s15 =	sand.u32 @!p0 $0x4000, s15  }
0x29: {  	[tilespmem:s15], [sflag:$0x1] =	stream.linear.gather @!p0 [hbm4b:s16+s17], s14, $0x38;
	[tilespmem:$0x10000] =	vst v63  }
0x2a: {  	p0 =	seq.s32 s12, $0x0  }
0x2b: {  	p1 =	sge.u32 @!p0 s12, s7  }
0x2c: {  	p0 =	por p0, p1  }
.Ltmp2:
0x2d: {  	_ = 	snop;
	(pc) =	sbr.rel @p0 .LBB1_8-.Ltmp2, $1  }
0x2e: {  	_ =	sdelay $0x3  }
0x2f: {  	p0 =	sgt.s32 s10, $0x3CF9;
	s14 =	smov.u32 s10;
	s15 =	sshra.s32 s10, $0x1F  }
0x30: {  	s14 =	simm.s32 @!p0 $0x3CF9;
	s15 =	sand.u32 s15, s10  }
0x31: {  	s14 =	ssub.s32 s14, s15  }
0x32: {  	s16 =	sadd.s32 $0x10, s10;
	s14 =	sadd.s32 $0xFFFFC307, s14  }
0x33: {  	p1 =	slt.s32 s16, $0x3D09;
	s30 =	sshll.u32 s14, $0xC  }
0x34: {  	s16 =	simm.s32 @!p1 $0x3D09;
	s15 =	ssub.s32 $0x10000, s30  }
0x35: {  	p0 =	sgt.s32 s14, $0xF;
	s14 =	sshrl.u32 s15, $0x2;
	s15 =	ssub.s32 s16, s10  }
0x36: {  	s14 =	simm.s32 @p0 $0x0;
	p0 =	slt.s32 s15, $0x1  }
.Ltmp3:
0x37: {  	_ = 	snop;
	(pc) =	sbr.rel @p0 .LBB1_7-.Ltmp3, $4  }
0x38: {  	_ = 	snop  }
0x39: {  	_ =	swait.ge [sflag:s4], s14  }
0x3a: {  	s31 =	ssub.s32 $0x0, s14;
	[sflag:s4] =	ssyncset.done $0x0  }
0x3b: {  	[sflag:s4] =	ssyncadd.s32 s31  }
0x3c: {  	s16 =	sshrl.u32 s9, $0x1  }
0x3d: {  	s17 =	sand.u32 $0x4000, s16  }
0x3e: {  	s18 =	simm.s32 $0x0;
	s16 =	sor.u32 $0x200, s17;
	s17 =	sor.u32 $0x8080, s17  }
.LBB1_4:
0x3f: {  	v0 =	vld [tilespmem:s16+$0xFFFFFE70]  }
0x40: {  	v1 =	vld [tilespmem:s16+$0x70]  }
0x41: {  	v2 =	vld [tilespmem:s16+$0x0]  }
0x42: {  	v3 =	vld [tilespmem:s16+$0xFFFFFE10]  }
0x43: {  	v4 =	vld [tilespmem:s16+$0x10]  }
0x44: {  	v5 =	vld [tilespmem:s16+$0xFFFFFE20]  }
0x45: {  	v7 =	vld [tilespmem:s16+$0x20]  }
0x46: {  	v11 =	vld [tilespmem:s16+$0x30];
	v6 =	vunpack.i.l.s16.s32 v0;
	v8 =	vunpack.i.u.s16.s32 v0;
	v9 =	vunpack.i.u.s16.s32 v1  }
0x47: {  	v10 =	vunpack.i.l.s16.s32 v1;
	v0 =	vunpack.i.u.s16.s32 v2;
	v1 =	vunpack.i.l.s16.s32 v2;
	v2 =	vld [tilespmem:s16+$0xFFFFFE30]  }
0x48: {  	v8 =	vpack.i.b32.b16 v9, v8;
	v9 =	vunpack.i.u.s16.s32 v3;
	v3 =	vunpack.i.l.s16.s32 v3  }
0x49: {  	v12 =	vld [tilespmem:s16+$0xFFFFFE40];
	v6 =	vpack.i.b32.b16 v10, v6;
	[tilespmem:s17+$0x70] =	vst v8;
	v8 =	vunpack.i.u.s16.s32 v4;
	v4 =	vunpack.i.l.s16.s32 v4  }
0x4a: {  	v13 =	vld [tilespmem:s16+$0x40];
	v10 =	vunpack.i.u.s16.s32 v5;
	v5 =	vunpack.i.l.s16.s32 v5;
	[tilespmem:s17+$0xFFFFFFF0] =	vst v6;
	v3 =	vpack.i.b32.b16 v4, v3  }
0x4b: {  	v6 =	vunpack.i.l.s16.s32 v7;
	v4 =	vld [tilespmem:s16+$0xFFFFFE50];
	[tilespmem:s17+$0xFFFFFF90] =	vst v3;
	v3 =	vpack.i.b32.b16 v8, v9;
	v8 =	vunpack.i.u.s16.s32 v7  }
0x4c: {  	v7 =	vunpack.i.l.s16.s32 v11;
	[tilespmem:s17+$0x10] =	vst v3;
	v3 =	vpack.i.b32.b16 v6, v5;
	v9 =	vunpack.i.u.s16.s32 v2;
	v6 =	vld [tilespmem:s16+$0x50]  }
0x4d: {  	v5 =	vunpack.i.l.s16.s32 v2;
	v2 =	vld [tilespmem:s16+$0xFFFFFE60];
	[tilespmem:s17+$0xFFFFFFA0] =	vst v3;
	v3 =	vpack.i.b32.b16 v8, v10;
	v10 =	vunpack.i.u.s16.s32 v11  }
0x4e: {  	s21 =	simm.s32 $0x0;
	v11 =	vpack.i.b32.b16 v7, v5;
	v7 =	vunpack.i.u.s16.s32 v12;
	v8 =	vunpack.i.l.s16.s32 v12;
	[tilespmem:s17+$0x20] =	vst v3;
	v3 =	vld [tilespmem:s16+$0x60]  }
0x4f: {  	s22 =	sadd.s32 $0x80, s16;
	s20 =	smov.u32 s17;
	s19 =	smov.u32 s17;
	v5 =	vld [tilespmem:s16+$0xFFFFFE00];
	[tilespmem:s17+$0xFFFFFFB0] =	vst v11;
	v10 =	vpack.i.b32.b16 v10, v9;
	v9 =	vunpack.i.u.s16.s32 v13;
	v11 =	vunpack.i.l.s16.s32 v13  }
.LBB1_5:
0x50: {  	v12 =	vld [tilespmem:s22+$0xFFFFFE70];
	[tilespmem:s20+$0x30] =	vst v10;
	v8 =	vpack.i.b32.b16 v11, v8;
	v10 =	vunpack.i.u.s16.s32 v4;
	v4 =	vunpack.i.l.s16.s32 v4  }
0x51: {  	s21 =	sadd.s32 $0x2, s21;
	v7 =	vpack.i.b32.b16 v9, v7;
	v11 =	vld [tilespmem:s22+$0x70];
	[tilespmem:s20+$0xFFFFFFC0] =	vst v8;
	v8 =	vunpack.i.u.s16.s32 v6;
	v6 =	vunpack.i.l.s16.s32 v6  }
0x52: {  	p0 =	slt.u32 s21, $0x6;
	v9 =	vld [tilespmem:s22+$0x0];
	[tilespmem:s20+$0x40] =	vst v7;
	v4 =	vpack.i.b32.b16 v6, v4;
	v6 =	vunpack.i.u.s16.s32 v2;
	v2 =	vunpack.i.l.s16.s32 v2  }
0x53: {  	v7 =	vld [tilespmem:s22+$0xFFFFFE10];
	[tilespmem:s20+$0xFFFFFFD0] =	vst v4;
	v4 =	vpack.i.b32.b16 v8, v10;
	v8 =	vunpack.i.u.s16.s32 v3;
	v3 =	vunpack.i.l.s16.s32 v3  }
0x54: {  	v10 =	vld [tilespmem:s22+$0x10];
	v13 =	vunpack.i.u.s16.s32 v5;
	v5 =	vunpack.i.l.s16.s32 v5;
	[tilespmem:s20+$0x50] =	vst v4;
	v2 =	vpack.i.b32.b16 v3, v2  }
0x55: {  	v3 =	vld [tilespmem:s22+$0xFFFFFE20];
	v4 =	vunpack.i.l.s16.s32 v12;
	v1 =	vpack.i.b32.b16 v1, v5;
	v5 =	vpack.i.b32.b16 v0, v13;
	[tilespmem:s20+$0xFFFFFFE0] =	vst v2  }
0x56: {  	v12 =	vunpack.i.u.s16.s32 v12;
	v2 =	vld [tilespmem:s22+$0x20];
	v13 =	vunpack.i.u.s16.s32 v11;
	v11 =	vunpack.i.l.s16.s32 v11;
	[tilespmem:s20+$0xFFFFFF80] =	vst v1  }
0x57: {  	s20 =	sadd.s32 $0x100, s20;
	v0 =	vunpack.i.u.s16.s32 v9;
	v1 =	vunpack.i.l.s16.s32 v9;
	v9 =	vld [tilespmem:s22+$0xFFFFFE30];
	v12 =	vpack.i.b32.b16 v13, v12;
	[tilespmem:s19+$0x0] =	vst v5  }
0x58: {  	v6 =	vpack.i.b32.b16 v8, v6;
	v5 =	vunpack.i.u.s16.s32 v7;
	v7 =	vunpack.i.l.s16.s32 v7;
	v13 =	vld [tilespmem:s22+$0x30];
	[tilespmem:s20+$0x70] =	vst v12  }
0x59: {  	v4 =	vpack.i.b32.b16 v11, v4;
	v8 =	vunpack.i.u.s16.s32 v10;
	v10 =	vunpack.i.l.s16.s32 v10;
	v12 =	vld [tilespmem:s22+$0xFFFFFE40];
	[tilespmem:s19+$0x60] =	vst v6;
	s19 =	smov.u32 s20  }
0x5a: {  	v6 =	vpack.i.b32.b16 v10, v7;
	v7 =	vunpack.i.u.s16.s32 v3;
	v3 =	vunpack.i.l.s16.s32 v3;
	v11 =	vld [tilespmem:s22+$0x40];
	[tilespmem:s20+$0xFFFFFFF0] =	vst v4  }
.Ltmp4:
0x5b: {  	v5 =	vpack.i.b32.b16 v8, v5;
	[tilespmem:s20+$0xFFFFFF90] =	vst v6;
	v8 =	vunpack.i.u.s16.s32 v2;
	v2 =	vunpack.i.l.s16.s32 v2;
	v4 =	vld [tilespmem:s22+$0xFFFFFE50];
	(pc) =	sbr.rel @p0 .LBB1_5-.Ltmp4, $4  }
0x5c: {  	[tilespmem:s20+$0x10] =	vst v5;
	v2 =	vpack.i.b32.b16 v2, v3;
	v10 =	vunpack.i.u.s16.s32 v9;
	v3 =	vunpack.i.l.s16.s32 v9;
	v6 =	vld [tilespmem:s22+$0x50]  }
0x5d: {  	v5 =	vpack.i.b32.b16 v8, v7;
	[tilespmem:s20+$0xFFFFFFA0] =	vst v2;
	v9 =	vunpack.i.u.s16.s32 v13;
	v7 =	vunpack.i.l.s16.s32 v13;
	v2 =	vld [tilespmem:s22+$0xFFFFFE60]  }
0x5e: {  	[tilespmem:s20+$0x20] =	vst v5;
	v13 =	vpack.i.b32.b16 v7, v3;
	v7 =	vunpack.i.u.s16.s32 v12;
	v8 =	vunpack.i.l.s16.s32 v12;
	v3 =	vld [tilespmem:s22+$0x60]  }
0x5f: {  	v10 =	vpack.i.b32.b16 v9, v10;
	v5 =	vld [tilespmem:s22+$0xFFFFFE00];
	[tilespmem:s20+$0xFFFFFFB0] =	vst v13;
	v9 =	vunpack.i.u.s16.s32 v11;
	v11 =	vunpack.i.l.s16.s32 v11;
	s22 =	sadd.s32 $0x80, s22  }
0x60: {  	[tilespmem:s20+$0x30] =	vst v10;
	v8 =	vpack.i.b32.b16 v11, v8  }
0x61: {  	v51 =	vunpack.i.l.s16.s32 v4;
	v7 =	vpack.i.b32.b16 v9, v7;
	[tilespmem:s20+$0xFFFFFFC0] =	vst v8;
	v52 =	vunpack.i.l.s16.s32 v6  }
0x62: {  	v53 =	vunpack.i.u.s16.s32 v4;
	s18 =	sadd.s32 $0x1, s18;
	v54 =	vunpack.i.u.s16.s32 v6;
	[tilespmem:s20+$0x40] =	vst v7;
	v55 =	vpack.i.b32.b16 v52, v51  }
0x63: {  	p0 =	sne.s32 s18, s15;
	v56 =	vunpack.i.l.s16.s32 v2;
	v4 =	vpack.i.b32.b16 v54, v53;
	[tilespmem:s20+$0xFFFFFFD0] =	vst v55;
	v57 =	vunpack.i.l.s16.s32 v3  }
.Ltmp5:
0x64: {  	[tilespmem:s20+$0x50] =	vst v4;
	v58 =	vunpack.i.l.s16.s32 v5;
	v59 =	vpack.i.b32.b16 v57, v56;
	(pc) =	sbr.rel @p0 .LBB1_4-.Ltmp5, $4  }
.Ltmp6:
0x65: {  	v61 =	vunpack.i.u.s16.s32 v2;
	v62 =	vunpack.i.u.s16.s32 v3;
	v1 =	vpack.i.b32.b16 v1, v58;
	[tilespmem:s20+$0xFFFFFFE0] =	vst v59;
	(pc) =	sbr.rel @!p0 .LBB1_7-.Ltmp6, $4  }
0x66: {  	v60 =	vunpack.i.u.s16.s32 v5;
	v63 =	vpack.i.b32.b16 v62, v61;
	[tilespmem:s20+$0xFFFFFF80] =	vst v1  }
0x67: {  	v0 =	vpack.i.b32.b16 v0, v60;
	[tilespmem:s19+$0x60] =	vst v63  }
0x68: {  	s16 =	sadd.s32 $0x400, s16;
	s17 =	sadd.s32 $0x400, s17;
	[tilespmem:s19+$0x0] =	vst v0  }
0x69: {  	_ = 	snop  }
.LBB1_9:
0x6a: {  	_ =	sfence.sel $0x180000  }
0x6b: {  	s2 =	simm.s32 $0x1;
	[bflag:$0x0] =	sbarrier.arrive $0xFFFF  }
0x6c: {  	s31 =	simm.s32 $0x2;
	[sflag:s2] =	ssyncpa.u1 $0x1  }
0x6d: {  	[sflag:s31] =	ssyncpa.u1 $0x1  }
0x6e: {  	p0 =	sne.s32 s1, $0x0;
	_ =	strace $0x90000050  }
0x6f: {  	s0 =	sadd.s32 @!p0 $0x100000, s0;
	[bflag:$0x2] =	sbarrier.arrive $0xFFFF  }
0x70: {  	[sflag:s0] =	ssyncadd.tile.s32 @!p0 $0x1;
	_ =	shalt  }
.Lfunc_end1:
_tile_overlayer_lowered:
.L_overlay_start_2:
0x71: {  	(tag) =	ssettag $0x2  }
0x72: {  	s0 =	rddreg [dreg:$0x0];
	s2 =	stileid.u32  }
0x73: {  	s1 =	rddreg [dreg:$0x1];
	p0 =	sne.s32 s2, $0x0  }
0x74: {  	s3 =	rddreg [dreg:$0x2];
	[bflag:$0x3] =	sbarrier.arrive $0xFFFF;
	s2 =	simm.s32 @!p0 $0x1C01  }
0x75: {  	[timem:s3], [sflag:s2] =	dma.local @!p0 [hbm:s0], s1  }
0x76: {  	s0 =	simm.s32 @!p0 $0x1  }
0x77: {  	_ =	swait.ge @!p0 [sflag:s0], s1  }
0x78: {  	s1 =	ssub.s32 @!p0 $0x0, s1;
	[sflag:s0] =	ssyncset.done @!p0 $0x0  }
0x79: {  	[sflag:s0] =	ssyncadd.s32 @!p0 s1  }
0x7a: {  	[bflag:$0x3] =	sbarrier.arrive $0xFFFF  }
0x7b: {  	_ =	shalt  }

// kernel: sparse-core-data-format-call.3.cloned.1.call-start
scs
called_computation.3_lowered:
.L_overlay_start_0:
0x0: {  	s2 =	sld [smem:$0x3FD9]  }
0x1: {  	s3 =	sld [smem:$0x3FFE];
	_ =	sdelay $0x1  }
0x2: {  	s1 =	srdreg.scid  }
0x3: {  	s0 =	sand.u32 $0x1, s1  }
0x4: {  	s18 =	sshll.u32 s0, $0xA;
	s2 =	sadd.s32 s3, s2  }
0x5: {  	s2 =	sadd.s32 s2, s18  }
0x6: {  	[smem:$0x3FC4] =	sst s2  }
0x7: {  	_ = 	snop  }
0x8: {  	(tm) =	ssettm $0x1  }
0x9: {  	s19 =	sld [smem:$0x3FFB];
	_ =	sdelay $0x3  }
0xa: {  	_ =	strace s19  }
0xb: {  	s2 =	sld [smem:$0x3FFC];
	_ =	sdelay $0x3  }
0xc: {  	_ =	strace s2  }
0xd: {  	s2 =	sld [smem:$0x3FFD];
	_ =	sdelay $0x3  }
0xe: {  	_ =	strace s2  }
0xf: {  	_ =	strace $0x8FFFFFFF  }
0x10: {  	s20 =	sld [smem:$0x3FDB];
	_ =	sdelay $0x1  }
0x11: {  	s21 =	simm.s32 $_scs_section_size  }
0x12: {  	s4 =	simm.s32 $_size__tile_overlayer_lowered;
	s5 =	simm.s32 $_tile_overlayer_lowered  }
0x13: {  	s6 =	simm.s32 $0x1BFF;
	s22 =	sshll.u32 s5, $0x1;
	s3 =	sadd.s32 s21, s20  }
0x14: {  	s23 =	simm.s32 $0x0;
	s4 =	sshll.u32 s4, $0x1;
	s5 =	sadd.s32 s22, s3  }
0x15: {  	[timem:s23], [sflag:s6] =	dma.local [hbm:s5], s4  }
0x16: {  	_ =	swait.ge [sflag:s6], s4  }
0x17: {  	s4 =	ssub.s32 $0x0, s4;
	[sflag:s6] =	ssyncset.done $0x0  }
0x18: {  	[sflag:s6] =	ssyncadd.s32 s4;
	_ =	sdelay $0x1  }
0x19: {  	s24 =	simm.s32 $0x1B8B  }
0x1a: {  	_ =	swait.ge [sflag:s24], $0x1  }
0x1b: {  	[sflag:s24] =	ssyncset.done $0x0  }
0x1c: {  	[sflag:s24] =	ssyncadd.s32 $0xFFFFFFFF  }
0x1d: {  	s4 =	sld [smem:$0x0]  }
0x1e: {  	s5 =	sand.u32 $0xFFFFFFFE, s1  }
0x1f: {  	p0 =	sne.s32 s1, s5  }
0x20: {  	s5 =	sshll.u32 @p0 s5, $0xE  }
0x21: {  	s5 =	sadd.s32 @p0 $0x11B8D, s5;
	s6 =	sshll.u32 @p0 s4, $0x11  }
0x22: {  	s5 =	sor.u32 @p0 s6, s5  }
0x23: {  	[sflag:s5] =	ssyncadd.remote.s32 @p0 $0x1;
	_ =	sdelay $0x1  }
0x24: {  	s5 =	simm.s32 @p0 $0x1B8D  }
0x25: {  	_ =	swait.eq @p0 [sflag:s5], $0x1  }
0x26: {  	[sflag:s5] =	ssyncadd.s32 @p0 $0xFFFFFFFF  }
0x27: {  	s6 =	sshll.u32 @!p0 s1, $0xE  }
0x28: {  	s6 =	sor.u32 @!p0 $0x4000, s6;
	s5 =	simm.s32 @!p0 $0x1B8D  }
0x29: {  	s4 =	sshll.u32 @!p0 s4, $0x11;
	s6 =	sadd.s32 @!p0 $0x11B8D, s6;
	_ =	swait.eq @!p0 [sflag:s5], $0x1  }
0x2a: {  	s4 =	sor.u32 @!p0 s4, s6;
	[sflag:s5] =	ssyncadd.s32 @!p0 $0xFFFFFFFF  }
0x2b: {  	s26 =	simm.s32 $0x1B8E;
	s25 =	sld [smem:$0x3FFE];
	[sflag:s4] =	ssyncadd.remote.s32 @!p0 $0x1  }
0x2c: {  	s27 =	simm.s32 $execute0_lowered;
	[smem:$0x3FD2] =	sst s26  }
0x2d: {  	s5 =	sshll.u32 s27, $0x1;
	_ =	strace $0x80000049;
	[dreg:$0x1] =	wrdreg $0xFFFFFFFF  }
0x2e: {  	s28 =	simm.s32 $_size_execute0_lowered;
	s3 =	sadd.s32 s3, s5;
	[dreg:$0x0] =	wrdreg $0x0  }
0x2f: {  	s5 =	sshll.u32 s28, $0x1;
	[dreg:$0x2] =	wrdreg s3  }
0x30: {  	[dreg:$0x3] =	wrdreg s5  }
0x31: {  	[dreg:$0x4] =	wrdreg $0xC0  }
0x32: {  	_ =	task [dreg:s23], $0x5FFFF  }
0x33: {  	[dreg:$0x1] =	wrdreg $0xFFFFFFFF  }
0x34: {  	[dreg:$0x0] =	wrdreg $0x60  }
0x35: {  	[dreg:$0x2] =	wrdreg s25  }
0x36: {  	[dreg:$0x3] =	wrdreg $0xA  }
0x37: {  	_ =	task.clear_ibuf [dreg:s23], $0x4FFFF;
	_ =	strace $0x90000049  }
0x38: {  	s29 =	simm.s32 $0xA;
	_ =	strace $0x8000004B  }
0x39: {  	_ =	swait.ge [sflag:s29], $0x1  }
0x3a: {  	[sflag:s29] =	ssyncadd.s32 $0xFFFFFFFF  }
0x3b: {  	_ =	strace $0x9000004B  }
0x3c: {  	_ =	sfence  }
0x3d: {  	s30 =	sld [smem:$0x0];
	_ =	sdelay $0x2  }
0x3e: {  	s31 =	sshll.u32 s1, $0xD;
	s1 =	sshrl.u32 s1, $0x2  }
0x3f: {  	s4 =	sand.u32 $0x4000, s31;
	s1 =	sadd.s32 s1, s30  }
0x40: {  	s0 =	sor.u32 s4, s0;
	s1 =	sshll.u32 s1, $0x11  }
0x41: {  	s0 =	sor.u32 s1, s0  }
0x42: {  	s0 =	sadd.s32 $0x8F2B, s0  }
0x43: {  	[sflag:s0] =	ssyncadd.remote.s32 $0x1  }
0x44: {  	_ =	sfence.sel $0xFFFF  }
0x45: {  	[dreg:$0x0] =	wrdreg $0xFFFFFFFF;
	(pc) =	sbr.abs _section_cstart, $3  }
0x46: {  	[dreg:$0x1] =	wrdreg $0xFFFFFFFF  }
0x47: {  	_ =	task.clear_ibuf [dreg:s23], $0x2FFFF;
	_ =	strace $0x9FFFFFFF  }
0x48: {  	(tm) =	ssettm $0x7FFFFFFF  }
0x49: {  	_ =	shalt  }
tec
execute0_lowered:
.L_overlay_start_1:
0x0: {  	(tag) =	ssettag $0x1  }
0x1: {  	s0 =	srdreg.scid  }
0x2: {  	s5 =	rddreg [dreg:$0x0];
	s1 =	stileid.u32;
	s4 =	simm.s32 $0x1  }
0x3: {  	s6 =	simm.s32 $0x2;
	s15 =	simm.s32 $0x0;
	p0 =	por $0x0, $0x0  }
0x4: {  	s8 =	simm.s32 $0x80;
	s14 =	simm.s32 $0x0;
	s2 =	sshll.u32 s0, $0x4  }
0x5: {  	s9 =	simm.s32 $0x0;
	s10 =	simm.s32 $0x0;
	s2 =	sand.u32 $0x10, s2  }
.Ltmp0:
0x6: {  	s12 =	simm.s32 $0x0;
	s3 =	sor.u32 s1, s2;
	(pc) =	sbr.rel .LBB1_1-.Ltmp0, $4  }
0x7: {  	s0 =	rddreg [dreg:$0x1];
	_ =	strace $0x8000004A;
	s3 =	sshll.u32 s3, $0x7  }
0x8: {  	s13 =	simm.s32 $0x0;
	[sflag:s4] =	ssyncpa.u1 $0x0;
	s7 =	ssub.s32 $0xF4200, s3  }
0x9: {  	s2 =	sadd.s32 $0x98AC00, s5;
	[sflag:s6] =	ssyncpa.u1 $0x0;
	s6 =	sshrl.u32 s7, $0xC  }
0xa: {  	s5 =	sadd.s32 $0xB73200, s5;
	s11 =	smov.u32 s3;
	s7 =	sadd.s32 $0x2, s6  }
.LBB1_5:
0xb: {  	p1 =	slt.u32 s13, $0x2  }
0xc: {  	s17 =	smov.u32 s15;
	p2 =	sgt.s32 @!p1 s15, $0xF41C0;
	s16 =	sshra.s32 @!p1 s15, $0x1F  }
0xd: {  	p3 =	sgt.s32 @!p1 s14, $0x60;
	s18 =	sshra.s32 @!p1 s14, $0x1F;
	p2 =	por !p2, p1  }
0xe: {  	s15 =	sand.u32 @!p1 s16, s15;
	p3 =	por !p3, p1;
	s16 =	smov.u32 s14  }
0xf: {  	s14 =	sand.u32 @!p1 s18, s14;
	s17 =	simm.s32 @p2 $0xF41C0;
	s16 =	simm.s32 @p3 $0x60  }
0x10: {  	s15 =	ssub.s32 @!p1 s17, s15;
	s14 =	ssub.s32 @!p1 s16, s14  }
0x11: {  	s18 =	smov.u32 s12;
	s16 =	sadd.s32 @!p1 $0xFFF0BE40, s15;
	s17 =	sadd.s32 @!p1 $0xFFFFFFA0, s14  }
0x12: {  	s15 =	ssub.s32 @!p1 $0xF4240, s15;
	p2 =	sgt.s32 @!p1 s16, $0x7F;
	p3 =	sgt.s32 @!p1 s17, $0x1F  }
0x13: {  	s14 =	ssub.s32 @!p1 $0x80, s14;
	p2 =	por !p2, p1;
	p3 =	por !p3, p1  }
0x14: {  	s16 =	sadd.s32 $0x1000, s11;
	s15 =	simm.s32 @!p2 $0x0;
	s14 =	simm.s32 @!p3 $0x0  }
0x15: {  	p2 =	sgt.s32 s16, $0xF423F;
	s14 =	smul.u32 @!p1 s14, s15;
	s15 =	sadd.s32 $0x20, s12  }
0x16: {  	s18 =	smov.u32 @p2 s15  }
0x17: {  	s16 =	smov.u32 @p2 s3;
	p2 =	sgt.s32 s18, $0x1F  }
0x18: {  	p0 =	por !p0, !p0;
	s18 =	simm.s32 @p2 $0x0;
	p2 =	sne.s32 s13, s7  }
.Ltmp1:
0x19: {  	s17 =	simm.s32 @!p1 $0x2;
	s14 =	sshrl.u32 @!p1 s14, $0x1;
	(pc) =	sbr.rel @!p2 .LBB1_6-.Ltmp1, $4  }
0x1a: {  	s15 =	smov.u32 s9;
	s9 =	smov.u32 s11;
	s14 =	sand.u32 @!p1 $0x3FFFFFFF, s14  }
0x1b: {  	s11 =	smov.u32 s16;
	s13 =	sadd.s32 $0x1, s13;
	_ =	swait.ge @!p1 [sflag:s17], s14  }
0x1c: {  	s19 =	ssub.s32 @!p1 $0x0, s14;
	s14 =	smov.u32 s10;
	[sflag:s17] =	ssyncset.done @!p1 $0x0  }
0x1d: {  	s10 =	smov.u32 s12;
	s12 =	smov.u32 s18;
	[sflag:s17] =	ssyncadd.s32 @!p1 s19  }
.LBB1_1:
0x1e: {  	p1 =	sgt.u32 s13, s6  }
0x1f: {  	s16 =	sshrl.u32 @!p1 s12, $0x3  }
0x20: {  	s17 =	sshll.u32 @!p1 s11, $0x3;
	s16 =	smul.u32 @!p1 $0x7A1400, s16  }
0x21: {  	s18 =	sshll.u32 @!p1 s12, $0x7;
	s17 =	sand.u32 @!p1 $0xFFFFFC00, s17  }
0x22: {  	s16 =	sadd.s32 @!p1 s16, s17;
	s17 =	sand.u32 @!p1 $0x300, s18;
	s18 =	sshll.u32 @!p1 s11, $0x1  }
0x23: {  	s16 =	sor.u32 @!p1 s17, s16;
	s17 =	sand.u32 @!p1 $0xFE, s18  }
0x24: {  	s18 =	sand.u32 @!p1 $0x1, s12;
	s16 =	sor.u32 @!p1 s17, s16  }
0x25: {  	s17 =	sor.u32 @!p1 s18, s16  }
0x26: {  	s18 =	smulhi.u32 @!p1 $0x218D6287, s17;
	_ =	sdelay $0x1  }
0x27: {  	s16 =	smulhi.u32 @!p1 $0x218D6287, s16;
	s18 =	sshrl.u32 @!p1 s18, $0x11  }
0x28: {  	s18 =	smul.u32 @!p1 $0xF4280, s18  }
0x29: {  	s16 =	sshrl.u32 @!p1 s16, $0x11  }
0x2a: {  	s16 =	sand.u32 @!p1 $0x1F, s16;
	s17 =	ssub.s32 @!p1 s17, s18  }
0x2b: {  	s16 =	smul.u32 @!p1 $0xF428, s16;
	s18 =	sshrl.u32 @!p1 s17, $0x4  }
0x2c: {  	s19 =	sxor.u32 @!p1 $0xFFFFFFFF, s13;
	s17 =	sshll.u32 @!p1 s17, $0x11;
	s18 =	sadd.s32 @!p1 s2, s18  }
0x2d: {  	s17 =	sand.u32 @!p1 $0x1C0000, s17;
	s16 =	sadd.s32 @!p1 s16, s18;
	s18 =	sshll.u32 @!p1 s19, $0xB  }
0x2e: {  	s17 =	sor.u32 @!p1 $0x200, s17;
	s19 =	simm.s32 @!p1 $0x3D0A00;
	s18 =	sand.u32 @!p1 $0x800, s18  }
0x2f: {  	[tilespmem:s18], [sflag:$0x1] =	stream.strided.gather @!p1 [hbm4b:s16+s17], $0x800, s19, s17, $0x38;
	[tilespmem:$0x2080] =	vst v63  }
0x30: {  	p1 =	seq.s32 s13, $0x0  }
0x31: {  	p2 =	sge.u32 @!p1 s13, s7  }
0x32: {  	p1 =	por p1, p2  }
.Ltmp2:
0x33: {  	_ = 	snop;
	(pc) =	sbr.rel @p1 .LBB1_5-.Ltmp2, $1  }
0x34: {  	_ =	sdelay $0x3  }
0x35: {  	s16 =	simm.s32 $0x1  }
0x36: {  	_ =	swait.ge [sflag:s4], $0x800;
	s16 =	simm.s32 @!p0 $0x0  }
0x37: {  	[sflag:s4] =	ssyncset.done $0x0;
	s16 =	sshll.u32 s16, $0xB  }
0x38: {  	[sflag:s4] =	ssyncadd.s32 $0xFFFFF800;
	s16 =	sor.u32 $0x40, s16  }
0x39: {  	v0 =	vld [tilespmem:s16+$0x20]  }
0x3a: {  	v1 =	vld [tilespmem:s16+$0x30]  }
0x3b: {  	v2 =	vld [tilespmem:s16+$0xFFFFFFD0]  }
0x3c: {  	v5 =	vld [tilespmem:s16+$0x0]  }
0x3d: {  	v6 =	vld [tilespmem:s16+$0x10]  }
0x3e: {  	s17 =	sand.u32 $0x1, s13;
	v3 =	vld [tilespmem:s16+$0xFFFFFFE0]  }
0x3f: {  	s17 =	smul.u32 $0x2100, s17;
	v4 =	vld [tilespmem:s16+$0xFFFFFFF0]  }
0x40: {  	s18 =	simm.s32 $0x0;
	v1 =	vperm.xlane.i2c.b16 v1  }
0x41: {  	s19 =	sand.u32 $0x1C, s18;
	s17 =	sshrl.u32 s17, $0x2;
	v8 =	vld [tilespmem:s16+$0xFFFFFFC0];
	s20 =	sadd.s32 $0x80, s16;
	v7 =	vperm.xlane.i2c.b16 v0;
	v0 =	vperm.xlane.i2c.b16 v2  }
0x42: {  	s30 =	sand.u32 $0x20, s18;
	s31 =	sshrl.u32 s19, $0x1;
	s16 =	sor.u32 $0x1000, s17;
	v11 =	vld [tilespmem:s20+$0x30];
	v10 =	vperm.xlane.i2c.b16 v5;
	v13 =	vperm.xlane.i2c.b16 v6  }
0x43: {  	s17 =	sshrl.u32 s30, $0x1;
	s18 =	sadd.s32 s31, s16;
	v2 =	vld [tilespmem:s20+$0x20];
	v3 =	vperm.xlane.i2c.b16 v3;
	v9 =	vcombine.low v7, v1  }
0x44: {  	v12 =	vld [tilespmem:s20+$0xFFFFFFD0];
	s17 =	sadd.s32 s17, s18;
	v4 =	vperm.xlane.i2c.b16 v4;
	v14 =	vcombine.low v10, v13  }
0x45: {  	v1 =	vcombine.high v7, v1;
	v7 =	vld [tilespmem:s20+$0xFFFFFFE0];
	[tilespmem:s17+$0x630 ss:$0x21] =	vst.msk $0xffff, v9  }
0x46: {  	v6 =	vld [tilespmem:s20+$0xFFFFFFF0];
	v5 =	vperm.xlane.i2c.b16 v8;
	v9 =	vcombine.low v3, v4;
	[tilespmem:s17+$0x420 ss:$0x21] =	vst.msk $0xffff, v14  }
0x47: {  	s18 =	simm.s32 $0x4;
	v8 =	vperm.xlane.i2c.b16 v11;
	[tilespmem:s17+$0x631 ss:$0x21] =	vst.msk $0xffff, v1;
	v1 =	vcombine.high v3, v4;
	v4 =	vld [tilespmem:s20+$0x0]  }
0x48: {  	s19 =	simm.s32 $0x2;
	s22 =	sand.u32 $0x1C, s18;
	v10 =	vcombine.high v10, v13;
	v3 =	vld [tilespmem:s20+$0x10];
	[tilespmem:s17+$0x210 ss:$0x21] =	vst.msk $0xffff, v9;
	v9 =	vperm.xlane.i2c.b16 v2  }
0x49: {  	s21 =	sand.u32 $0x20, s18;
	s22 =	sshrl.u32 s22, $0x1;
	v11 =	vcombine.low v5, v0;
	v2 =	vld [tilespmem:s20+$0xFFFFFFC0];
	s20 =	sadd.s32 $0x80, s20;
	[tilespmem:s17+$0x211 ss:$0x21] =	vst.msk $0xffff, v1;
	v1 =	vperm.xlane.i2c.b16 v12  }
.LBB1_3:
0x4a: {  	v12 =	vld [tilespmem:s20+$0x20];
	s22 =	sadd.s32 s22, s16;
	s21 =	sshrl.u32 s21, $0x1;
	v13 =	vperm.xlane.i2c.b16 v7;
	v7 =	vcombine.low v9, v8;
	[tilespmem:s17+$0x421 ss:$0x21] =	vst.msk $0xffff, v10  }
0x4b: {  	s19 =	sadd.s32 $0x2, s19;
	v14 =	vld [tilespmem:s20+$0x30];
	s21 =	sadd.s32 s21, s22;
	v10 =	vperm.xlane.i2c.b16 v6;
	v6 =	vcombine.high v9, v8;
	[tilespmem:s17+$0x0 ss:$0x21] =	vst.msk $0xffff, v11  }
0x4c: {  	p1 =	slt.u32 s19, $0x1E;
	v11 =	vld [tilespmem:s20+$0xFFFFFFD0];
	v8 =	vperm.xlane.i2c.b16 v4;
	[tilespmem:s21+$0x630 ss:$0x21] =	vst.msk $0xffff, v7;
	v4 =	vcombine.high v5, v0;
	v0 =	vmov v1  }
.Ltmp3:
0x4d: {  	v7 =	vld [tilespmem:s20+$0xFFFFFFE0];
	v1 =	vcombine.low v13, v10;
	v3 =	vperm.xlane.i2c.b16 v3;
	[tilespmem:s21+$0x631 ss:$0x21] =	vst.msk $0xffff, v6;
	(pc) =	sbr.rel @p1 .LBB1_3-.Ltmp3, $4  }
0x4e: {  	v6 =	vld [tilespmem:s20+$0xFFFFFFF0];
	v5 =	vperm.xlane.i2c.b16 v2;
	v2 =	vcombine.high v13, v10;
	[tilespmem:s17+$0x1 ss:$0x21] =	vst.msk $0xffff, v4;
	s17 =	smov.u32 s21  }
0x4f: {  	s18 =	sadd.s32 $0x4, s18;
	v4 =	vld [tilespmem:s20+$0x0];
	[tilespmem:s17+$0x210 ss:$0x21] =	vst.msk $0xffff, v1;
	v13 =	vcombine.low v8, v3;
	v10 =	vcombine.high v8, v3  }
0x50: {  	s22 =	sand.u32 $0x1C, s18;
	v9 =	vperm.xlane.i2c.b16 v12;
	v3 =	vld [tilespmem:s20+$0x10];
	v8 =	vperm.xlane.i2c.b16 v14;
	[tilespmem:s17+$0x211 ss:$0x21] =	vst.msk $0xffff, v2  }
0x51: {  	s22 =	sshrl.u32 s22, $0x1;
	s21 =	sand.u32 $0x20, s18;
	v2 =	vld [tilespmem:s20+$0xFFFFFFC0];
	v1 =	vperm.xlane.i2c.b16 v11;
	s20 =	sadd.s32 $0x80, s20;
	v11 =	vcombine.low v5, v0;
	[tilespmem:s17+$0x420 ss:$0x21] =	vst.msk $0xffff, v13  }
0x52: {  	s18 =	sadd.s32 s22, s16;
	s19 =	sshll.u32 s9, $0x7;
	s20 =	sshll.u32 s10, $0x3  }
0x53: {  	s21 =	sshrl.u32 s21, $0x1;
	s24 =	sshll.u32 s10, $0x1;
	p1 =	sgt.s32 s9, $0xF41C0  }
0x54: {  	s22 =	smov.u32 s9;
	s26 =	sshra.s32 s9, $0x1F;
	s23 =	sand.u32 $0xFFFFFC00, s19  }
0x55: {  	s20 =	sand.u32 $0xFFFFFC00, s20;
	s19 =	sand.u32 $0x300, s19;
	s25 =	sand.u32 $0x80, s24  }
0x56: {  	s18 =	sadd.s32 s21, s18;
	s22 =	simm.s32 @!p1 $0xF41C0;
	p1 =	sgt.s32 s10, $0x60  }
0x57: {  	s21 =	smov.u32 s10;
	s20 =	sadd.s32 s20, s23;
	s23 =	sshra.s32 s10, $0x1F  }
0x58: {  	s21 =	simm.s32 @!p1 $0x60;
	s19 =	sor.u32 s19, s20;
	s20 =	sand.u32 s26, s9  }
0x59: {  	v7 =	vperm.xlane.i2c.b16 v7;
	[tilespmem:s17+$0x421 ss:$0x21] =	vst.msk $0xffff, v10;
	v0 =	vcombine.high v5, v0;
	s23 =	sand.u32 s23, s10;
	s19 =	sor.u32 s25, s19;
	s20 =	ssub.s32 s22, s20  }
0x5a: {  	v57 =	vcombine.low v9, v8;
	v6 =	vperm.xlane.i2c.b16 v6;
	[tilespmem:s17+$0x0 ss:$0x21] =	vst.msk $0xffff, v11;
	s21 =	ssub.s32 s21, s23;
	s19 =	sshrl.u32 s19, $0x7;
	s22 =	sadd.s32 $0xFFF0BE40, s20  }
0x5b: {  	v58 =	vcombine.high v9, v8;
	v4 =	vperm.xlane.i2c.b16 v4;
	[tilespmem:s17+$0x1 ss:$0x21] =	vst.msk $0xffff, v0;
	s23 =	sadd.s32 $0xFFFFFFA0, s21;
	s20 =	ssub.s32 $0xF4240, s20;
	s21 =	ssub.s32 $0x80, s21  }
0x5c: {  	[tilespmem:s18+$0x630 ss:$0x21] =	vst.msk $0xffff, v57;
	v59 =	vcombine.low v7, v6;
	v3 =	vperm.xlane.i2c.b16 v3;
	s27 =	smulhi.u32 $0x218DEF5, s19;
	p1 =	sgt.s32 s22, $0x7F;
	p2 =	sgt.s32 s23, $0x1F  }
0x5d: {  	[tilespmem:s18+$0x631 ss:$0x21] =	vst.msk $0xffff, v58;
	v60 =	vcombine.high v7, v6;
	s20 =	simm.s32 @p1 $0x0;
	s21 =	simm.s32 @p2 $0x0  }
0x5e: {  	v2 =	vperm.xlane.i2c.b16 v2;
	[tilespmem:s18+$0x210 ss:$0x21] =	vst.msk $0xffff, v59;
	v61 =	vcombine.low v4, v3;
	s17 =	sshrl.u32 s27, $0xD;
	s20 =	smul.u32 s21, s20  }
0x5f: {  	v3 =	vcombine.high v4, v3;
	[tilespmem:s18+$0x211 ss:$0x21] =	vst.msk $0xffff, v60;
	s17 =	smul.u32 $0xF4240, s17  }
.Ltmp4:
0x60: {  	s28 =	sshrl.u32 s10, $0x3;
	s29 =	sand.u32 $0x7, s10;
	v62 =	vcombine.low v2, v1;
	[tilespmem:s18+$0x420 ss:$0x21] =	vst.msk $0xffff, v61;
	(pc) =	sbr.rel .LBB1_5-.Ltmp4, $4  }
0x61: {  	v63 =	vcombine.high v2, v1;
	[tilespmem:s18+$0x421 ss:$0x21] =	vst.msk $0xffff, v3;
	s21 =	sshll.u32 s29, $0x12;
	s17 =	ssub.s32 s19, s17;
	s19 =	sand.u32 $0x7, s28  }
0x62: {  	[tilespmem:s18+$0x0 ss:$0x21] =	vst.msk $0xffff, v62;
	s20 =	sshrl.u32 s20, $0x1;
	s17 =	sshll.u32 s17, $0x3;
	s19 =	sadd.s32 s5, s19  }
0x63: {  	[tilespmem:s18+$0x1 ss:$0x21] =	vst.msk $0xffff, v63;
	s31 =	sor.u32 $0x20, s21;
	s30 =	sand.u32 $0x3FFFFFFF, s20;
	s17 =	sadd.s32 s17, s19  }
0x64: {  	[hbm4b:s17+s31] =	stream.strided.scatter [tilespmem:s16], [sflag:$0x2], s30, s8, s31, $0x10;
	[tilespmem:$0x2080] =	vst v63  }
.LBB1_6:
0x65: {  	_ =	sfence.sel $0x180000  }
0x66: {  	s2 =	simm.s32 $0x1;
	[bflag:$0x0] =	sbarrier.arrive $0xFFFF  }
0x67: {  	s31 =	simm.s32 $0x2;
	[sflag:s2] =	ssyncpa.u1 $0x1  }
0x68: {  	[sflag:s31] =	ssyncpa.u1 $0x1  }
0x69: {  	p0 =	sne.s32 s1, $0x0;
	_ =	strace $0x9000004A  }
0x6a: {  	s0 =	sadd.s32 @!p0 $0x100000, s0;
	[bflag:$0x2] =	sbarrier.arrive $0xFFFF  }
0x6b: {  	[sflag:s0] =	ssyncadd.tile.s32 @!p0 $0x1;
	_ =	shalt  }
.Lfunc_end1:
_tile_overlayer_lowered:
.L_overlay_start_2:
0x6c: {  	(tag) =	ssettag $0x2  }
0x6d: {  	s0 =	rddreg [dreg:$0x0];
	s2 =	stileid.u32  }
0x6e: {  	s1 =	rddreg [dreg:$0x1];
	p0 =	sne.s32 s2, $0x0  }
0x6f: {  	s3 =	rddreg [dreg:$0x2];
	[bflag:$0x3] =	sbarrier.arrive $0xFFFF;
	s2 =	simm.s32 @!p0 $0x1C01  }
0x70: {  	[timem:s3], [sflag:s2] =	dma.local @!p0 [hbm:s0], s1  }
0x71: {  	s0 =	simm.s32 @!p0 $0x1  }
0x72: {  	_ =	swait.ge @!p0 [sflag:s0], s1  }
0x73: {  	s1 =	ssub.s32 @!p0 $0x0, s1;
	[sflag:s0] =	ssyncset.done @!p0 $0x0  }
0x74: {  	[sflag:s0] =	ssyncadd.s32 @!p0 s1  }
0x75: {  	[bflag:$0x3] =	sbarrier.arrive $0xFFFF  }
0x76: {  	_ =	shalt  }

// kernel: sparse-core-data-format-call.cloned.1.call-start
scs
called_computation_lowered:
.L_overlay_start_0:
0x0: {  	s2 =	sld [smem:$0x3FD9]  }
0x1: {  	s3 =	sld [smem:$0x3FFE];
	_ =	sdelay $0x1  }
0x2: {  	s1 =	srdreg.scid  }
0x3: {  	s0 =	sand.u32 $0x1, s1  }
0x4: {  	s18 =	sshll.u32 s0, $0xA;
	s2 =	sadd.s32 s3, s2  }
0x5: {  	s2 =	sadd.s32 s2, s18  }
0x6: {  	[smem:$0x3FC4] =	sst s2  }
0x7: {  	_ = 	snop  }
0x8: {  	(tm) =	ssettm $0x1  }
0x9: {  	s19 =	sld [smem:$0x3FFB];
	_ =	sdelay $0x3  }
0xa: {  	_ =	strace s19  }
0xb: {  	s2 =	sld [smem:$0x3FFC];
	_ =	sdelay $0x3  }
0xc: {  	_ =	strace s2  }
0xd: {  	s2 =	sld [smem:$0x3FFD];
	_ =	sdelay $0x3  }
0xe: {  	_ =	strace s2  }
0xf: {  	_ =	strace $0x8FFFFFFF  }
0x10: {  	s20 =	sld [smem:$0x3FDB];
	_ =	sdelay $0x1  }
0x11: {  	s21 =	simm.s32 $_scs_section_size  }
0x12: {  	s4 =	simm.s32 $_size__tile_overlayer_lowered;
	s5 =	simm.s32 $_tile_overlayer_lowered  }
0x13: {  	s6 =	simm.s32 $0x1BFF;
	s22 =	sshll.u32 s5, $0x1;
	s3 =	sadd.s32 s21, s20  }
0x14: {  	s23 =	simm.s32 $0x0;
	s4 =	sshll.u32 s4, $0x1;
	s5 =	sadd.s32 s22, s3  }
0x15: {  	[timem:s23], [sflag:s6] =	dma.local [hbm:s5], s4  }
0x16: {  	_ =	swait.ge [sflag:s6], s4  }
0x17: {  	s4 =	ssub.s32 $0x0, s4;
	[sflag:s6] =	ssyncset.done $0x0  }
0x18: {  	[sflag:s6] =	ssyncadd.s32 s4;
	_ =	sdelay $0x1  }
0x19: {  	s24 =	simm.s32 $0x1B8B  }
0x1a: {  	_ =	swait.ge [sflag:s24], $0x1  }
0x1b: {  	[sflag:s24] =	ssyncset.done $0x0  }
0x1c: {  	[sflag:s24] =	ssyncadd.s32 $0xFFFFFFFF  }
0x1d: {  	s4 =	sld [smem:$0x0]  }
0x1e: {  	s5 =	sand.u32 $0xFFFFFFFE, s1  }
0x1f: {  	p0 =	sne.s32 s1, s5  }
0x20: {  	s5 =	sshll.u32 @p0 s5, $0xE  }
0x21: {  	s5 =	sadd.s32 @p0 $0x11B8D, s5;
	s6 =	sshll.u32 @p0 s4, $0x11  }
0x22: {  	s5 =	sor.u32 @p0 s6, s5  }
0x23: {  	[sflag:s5] =	ssyncadd.remote.s32 @p0 $0x1;
	_ =	sdelay $0x1  }
0x24: {  	s5 =	simm.s32 @p0 $0x1B8D  }
0x25: {  	_ =	swait.eq @p0 [sflag:s5], $0x1  }
0x26: {  	[sflag:s5] =	ssyncadd.s32 @p0 $0xFFFFFFFF  }
0x27: {  	s6 =	sshll.u32 @!p0 s1, $0xE  }
0x28: {  	s6 =	sor.u32 @!p0 $0x4000, s6;
	s5 =	simm.s32 @!p0 $0x1B8D  }
0x29: {  	s4 =	sshll.u32 @!p0 s4, $0x11;
	s6 =	sadd.s32 @!p0 $0x11B8D, s6;
	_ =	swait.eq @!p0 [sflag:s5], $0x1  }
0x2a: {  	s4 =	sor.u32 @!p0 s4, s6;
	[sflag:s5] =	ssyncadd.s32 @!p0 $0xFFFFFFFF  }
0x2b: {  	s26 =	simm.s32 $0x1B8E;
	s25 =	sld [smem:$0x3FFE];
	[sflag:s4] =	ssyncadd.remote.s32 @!p0 $0x1  }
0x2c: {  	s27 =	simm.s32 $execute0_lowered;
	[smem:$0x3FD2] =	sst s26  }
0x2d: {  	s5 =	sshll.u32 s27, $0x1;
	_ =	strace $0x8000004C;
	[dreg:$0x1] =	wrdreg $0xFFFFFFFF  }
0x2e: {  	s28 =	simm.s32 $_size_execute0_lowered;
	s3 =	sadd.s32 s3, s5;
	[dreg:$0x0] =	wrdreg $0x0  }
0x2f: {  	s5 =	sshll.u32 s28, $0x1;
	[dreg:$0x2] =	wrdreg s3  }
0x30: {  	[dreg:$0x3] =	wrdreg s5  }
0x31: {  	[dreg:$0x4] =	wrdreg $0xC0  }
0x32: {  	_ =	task [dreg:s23], $0x5FFFF  }
0x33: {  	[dreg:$0x1] =	wrdreg $0xFFFFFFFF  }
0x34: {  	[dreg:$0x0] =	wrdreg $0x60  }
0x35: {  	[dreg:$0x2] =	wrdreg s25  }
0x36: {  	[dreg:$0x3] =	wrdreg $0x9  }
0x37: {  	_ =	task.clear_ibuf [dreg:s23], $0x4FFFF;
	_ =	strace $0x9000004C  }
0x38: {  	s29 =	simm.s32 $0x9;
	_ =	strace $0x8000004E  }
0x39: {  	_ =	swait.ge [sflag:s29], $0x1  }
0x3a: {  	[sflag:s29] =	ssyncadd.s32 $0xFFFFFFFF  }
0x3b: {  	_ =	strace $0x9000004E  }
0x3c: {  	_ =	sfence  }
0x3d: {  	s30 =	sld [smem:$0x0];
	_ =	sdelay $0x2  }
0x3e: {  	s31 =	sshll.u32 s1, $0xD;
	s1 =	sshrl.u32 s1, $0x2  }
0x3f: {  	s4 =	sand.u32 $0x4000, s31;
	s1 =	sadd.s32 s1, s30  }
0x40: {  	s0 =	sor.u32 s4, s0;
	s1 =	sshll.u32 s1, $0x11  }
0x41: {  	s0 =	sor.u32 s1, s0  }
0x42: {  	s0 =	sadd.s32 $0x8F2B, s0  }
0x43: {  	[sflag:s0] =	ssyncadd.remote.s32 $0x1  }
0x44: {  	_ =	sfence.sel $0xFFFF  }
0x45: {  	[dreg:$0x0] =	wrdreg $0xFFFFFFFF;
	(pc) =	sbr.abs _section_cstart, $3  }
0x46: {  	[dreg:$0x1] =	wrdreg $0xFFFFFFFF  }
0x47: {  	_ =	task.clear_ibuf [dreg:s23], $0x2FFFF;
	_ =	strace $0x9FFFFFFF  }
0x48: {  	(tm) =	ssettm $0x7FFFFFFF  }
0x49: {  	_ =	shalt  }
tec
execute0_lowered:
.L_overlay_start_1:
0x0: {  	(tag) =	ssettag $0x1  }
0x1: {  	s0 =	srdreg.scid  }
0x2: {  	s5 =	rddreg [dreg:$0x0];
	s1 =	stileid.u32;
	s4 =	simm.s32 $0x1  }
0x3: {  	s6 =	simm.s32 $0x2;
	s8 =	simm.s32 $0x0;
	s2 =	sshll.u32 s0, $0x4  }
0x4: {  	s9 =	simm.s32 $0x0;
	s13 =	simm.s32 $0x0;
	s2 =	sand.u32 $0x10, s2  }
.Ltmp0:
0x5: {  	s10 =	simm.s32 $0x0;
	s3 =	sor.u32 s1, s2;
	(pc) =	sbr.rel .LBB1_1-.Ltmp0, $4  }
0x6: {  	s0 =	rddreg [dreg:$0x1];
	_ =	strace $0x8000004D;
	s3 =	sshll.u32 s3, $0x4  }
0x7: {  	s12 =	simm.s32 $0x0;
	[sflag:s4] =	ssyncpa.u1 $0x0;
	s7 =	ssub.s32 $0x3D00, s3  }
0x8: {  	s2 =	sadd.s32 $0x1E9A00, s5;
	[sflag:s6] =	ssyncpa.u1 $0x0;
	s6 =	sshrl.u32 s7, $0x9  }
0x9: {  	s5 =	sadd.s32 $0x1400, s5;
	s11 =	smov.u32 s3;
	s7 =	sadd.s32 $0x2, s6  }
.LBB1_7:
0xa: {  	s15 =	sshll.u32 s12, $0xF  }
0xb: {  	s15 =	sand.u32 $0x8000, s15  }
0xc: {  	s16 =	sshll.u32 s10, $0x7;
	s15 =	sshrl.u32 s15, $0x1  }
0xd: {  	s16 =	sadd.s32 s5, s16;
	s15 =	sor.u32 $0x8000, s15  }
0xe: {  	[hbm4b:s16+s8] =	stream.linear.scatter [tilespmem:s15], [sflag:$0x2], s14, $0x38;
	[tilespmem:$0x10000] =	vst v63  }
.LBB1_8:
0xf: {  	p0 =	slt.u32 s12, $0x2  }
0x10: {  	p1 =	sgt.s32 @!p0 s13, $0x3CF9  }
0x11: {  	s14 =	smov.u32 s13;
	s15 =	sshra.s32 @!p0 s13, $0x1F;
	p1 =	por !p1, p0  }
0x12: {  	s13 =	sand.u32 @!p0 s15, s13;
	s14 =	simm.s32 @p1 $0x3CF9  }
0x13: {  	s13 =	ssub.s32 @!p0 s14, s13  }
0x14: {  	s13 =	sadd.s32 @!p0 $0xFFFFC307, s13  }
0x15: {  	s14 =	sshll.u32 @!p0 s13, $0xC  }
0x16: {  	p1 =	sgt.s32 @!p0 s13, $0xF;
	s13 =	ssub.s32 @!p0 $0x10000, s14  }
0x17: {  	s15 =	sadd.s32 $0x200, s11;
	p1 =	por !p1, p0;
	s13 =	sshrl.u32 @!p0 s13, $0x2  }
0x18: {  	s13 =	simm.s32 @!p1 $0x0;
	p1 =	sgt.s32 s15, $0x3D08  }
0x19: {  	s15 =	smov.u32 @p1 s3;
	p1 =	sne.s32 s12, s7  }
.Ltmp1:
0x1a: {  	_ = 	snop;
	(pc) =	sbr.rel @!p1 .LBB1_9-.Ltmp1, $4  }
0x1b: {  	s14 =	simm.s32 @!p0 $0x2  }
0x1c: {  	s9 =	sadd.s32 $0x8000, s9;
	_ =	swait.ge @!p0 [sflag:s14], s13;
	s16 =	ssub.s32 @!p0 $0x0, s13  }
0x1d: {  	s13 =	smov.u32 s10;
	s12 =	sadd.s32 $0x1, s12;
	[sflag:s14] =	ssyncset.done @!p0 $0x0  }
0x1e: {  	s10 =	smov.u32 s11;
	s11 =	smov.u32 s15;
	[sflag:s14] =	ssyncadd.s32 @!p0 s16  }
.LBB1_1:
0x1f: {  	p0 =	sgt.u32 s12, s6  }
0x20: {  	p1 =	sgt.s32 @!p0 s11, $0x3CF9  }
0x21: {  	s14 =	smov.u32 s11;
	s15 =	sshra.s32 @!p0 s11, $0x1F;
	p1 =	por !p1, p0  }
0x22: {  	s15 =	sand.u32 @!p0 s15, s11;
	s14 =	simm.s32 @p1 $0x3CF9  }
0x23: {  	s14 =	ssub.s32 @!p0 s14, s15  }
0x24: {  	s14 =	sadd.s32 @!p0 $0xFFFFC307, s14  }
0x25: {  	s16 =	sshll.u32 @!p0 s11, $0x7;
	s17 =	simm.s32 @!p0 $0x0;
	s15 =	sshll.u32 @!p0 s14, $0xC  }
0x26: {  	p1 =	sgt.s32 @!p0 s14, $0xF;
	s14 =	ssub.s32 @!p0 $0x10000, s15;
	s15 =	sxor.u32 @!p0 $0xFFFFFFFF, s12  }
0x27: {  	p1 =	por !p1, p0;
	s14 =	sshrl.u32 @!p0 s14, $0x2;
	s15 =	sshll.u32 @!p0 s15, $0xE  }
0x28: {  	s16 =	sadd.s32 @!p0 s2, s16;
	s14 =	simm.s32 @!p1 $0x0;
	s15 =	sand.u32 @!p0 $0x4000, s15  }
0x29: {  	[tilespmem:s15], [sflag:$0x1] =	stream.linear.gather @!p0 [hbm4b:s16+s17], s14, $0x38;
	[tilespmem:$0x10000] =	vst v63  }
0x2a: {  	p0 =	seq.s32 s12, $0x0  }
0x2b: {  	p1 =	sge.u32 @!p0 s12, s7  }
0x2c: {  	p0 =	por p0, p1  }
.Ltmp2:
0x2d: {  	_ = 	snop;
	(pc) =	sbr.rel @p0 .LBB1_8-.Ltmp2, $1  }
0x2e: {  	_ =	sdelay $0x3  }
0x2f: {  	p0 =	sgt.s32 s10, $0x3CF9;
	s14 =	smov.u32 s10;
	s15 =	sshra.s32 s10, $0x1F  }
0x30: {  	s14 =	simm.s32 @!p0 $0x3CF9;
	s15 =	sand.u32 s15, s10  }
0x31: {  	s14 =	ssub.s32 s14, s15  }
0x32: {  	s16 =	sadd.s32 $0x10, s10;
	s14 =	sadd.s32 $0xFFFFC307, s14  }
0x33: {  	p1 =	slt.s32 s16, $0x3D09;
	s30 =	sshll.u32 s14, $0xC  }
0x34: {  	s16 =	simm.s32 @!p1 $0x3D09;
	s15 =	ssub.s32 $0x10000, s30  }
0x35: {  	p0 =	sgt.s32 s14, $0xF;
	s14 =	sshrl.u32 s15, $0x2;
	s15 =	ssub.s32 s16, s10  }
0x36: {  	s14 =	simm.s32 @p0 $0x0;
	p0 =	slt.s32 s15, $0x1  }
.Ltmp3:
0x37: {  	_ = 	snop;
	(pc) =	sbr.rel @p0 .LBB1_7-.Ltmp3, $4  }
0x38: {  	_ = 	snop  }
0x39: {  	_ =	swait.ge [sflag:s4], s14  }
0x3a: {  	s31 =	ssub.s32 $0x0, s14;
	[sflag:s4] =	ssyncset.done $0x0  }
0x3b: {  	[sflag:s4] =	ssyncadd.s32 s31  }
0x3c: {  	s16 =	sshrl.u32 s9, $0x1  }
0x3d: {  	s17 =	sand.u32 $0x4000, s16  }
0x3e: {  	s18 =	simm.s32 $0x0;
	s16 =	sor.u32 $0x200, s17;
	s17 =	sor.u32 $0x8080, s17  }
.LBB1_4:
0x3f: {  	v0 =	vld [tilespmem:s16+$0xFFFFFE70]  }
0x40: {  	v1 =	vld [tilespmem:s16+$0x70]  }
0x41: {  	v2 =	vld [tilespmem:s16+$0x0]  }
0x42: {  	v3 =	vld [tilespmem:s16+$0xFFFFFE10]  }
0x43: {  	v4 =	vld [tilespmem:s16+$0x10]  }
0x44: {  	v5 =	vld [tilespmem:s16+$0xFFFFFE20]  }
0x45: {  	v7 =	vld [tilespmem:s16+$0x20]  }
0x46: {  	v11 =	vld [tilespmem:s16+$0x30];
	v6 =	vunpack.i.l.s16.s32 v0;
	v8 =	vunpack.i.u.s16.s32 v0;
	v9 =	vunpack.i.u.s16.s32 v1  }
0x47: {  	v10 =	vunpack.i.l.s16.s32 v1;
	v0 =	vunpack.i.u.s16.s32 v2;
	v1 =	vunpack.i.l.s16.s32 v2;
	v2 =	vld [tilespmem:s16+$0xFFFFFE30]  }
0x48: {  	v8 =	vpack.i.b32.b16 v9, v8;
	v9 =	vunpack.i.u.s16.s32 v3;
	v3 =	vunpack.i.l.s16.s32 v3  }
0x49: {  	v12 =	vld [tilespmem:s16+$0xFFFFFE40];
	v6 =	vpack.i.b32.b16 v10, v6;
	[tilespmem:s17+$0x70] =	vst v8;
	v8 =	vunpack.i.u.s16.s32 v4;
	v4 =	vunpack.i.l.s16.s32 v4  }
0x4a: {  	v13 =	vld [tilespmem:s16+$0x40];
	v10 =	vunpack.i.u.s16.s32 v5;
	v5 =	vunpack.i.l.s16.s32 v5;
	[tilespmem:s17+$0xFFFFFFF0] =	vst v6;
	v3 =	vpack.i.b32.b16 v4, v3  }
0x4b: {  	v6 =	vunpack.i.l.s16.s32 v7;
	v4 =	vld [tilespmem:s16+$0xFFFFFE50];
	[tilespmem:s17+$0xFFFFFF90] =	vst v3;
	v3 =	vpack.i.b32.b16 v8, v9;
	v8 =	vunpack.i.u.s16.s32 v7  }
0x4c: {  	v7 =	vunpack.i.l.s16.s32 v11;
	[tilespmem:s17+$0x10] =	vst v3;
	v3 =	vpack.i.b32.b16 v6, v5;
	v9 =	vunpack.i.u.s16.s32 v2;
	v6 =	vld [tilespmem:s16+$0x50]  }
0x4d: {  	v5 =	vunpack.i.l.s16.s32 v2;
	v2 =	vld [tilespmem:s16+$0xFFFFFE60];
	[tilespmem:s17+$0xFFFFFFA0] =	vst v3;
	v3 =	vpack.i.b32.b16 v8, v10;
	v10 =	vunpack.i.u.s16.s32 v11  }
0x4e: {  	s21 =	simm.s32 $0x0;
	v11 =	vpack.i.b32.b16 v7, v5;
	v7 =	vunpack.i.u.s16.s32 v12;
	v8 =	vunpack.i.l.s16.s32 v12;
	[tilespmem:s17+$0x20] =	vst v3;
	v3 =	vld [tilespmem:s16+$0x60]  }
0x4f: {  	s22 =	sadd.s32 $0x80, s16;
	s20 =	smov.u32 s17;
	s19 =	smov.u32 s17;
	v5 =	vld [tilespmem:s16+$0xFFFFFE00];
	[tilespmem:s17+$0xFFFFFFB0] =	vst v11;
	v10 =	vpack.i.b32.b16 v10, v9;
	v9 =	vunpack.i.u.s16.s32 v13;
	v11 =	vunpack.i.l.s16.s32 v13  }
.LBB1_5:
0x50: {  	v12 =	vld [tilespmem:s22+$0xFFFFFE70];
	[tilespmem:s20+$0x30] =	vst v10;
	v8 =	vpack.i.b32.b16 v11, v8;
	v10 =	vunpack.i.u.s16.s32 v4;
	v4 =	vunpack.i.l.s16.s32 v4  }
0x51: {  	s21 =	sadd.s32 $0x2, s21;
	v7 =	vpack.i.b32.b16 v9, v7;
	v11 =	vld [tilespmem:s22+$0x70];
	[tilespmem:s20+$0xFFFFFFC0] =	vst v8;
	v8 =	vunpack.i.u.s16.s32 v6;
	v6 =	vunpack.i.l.s16.s32 v6  }
0x52: {  	p0 =	slt.u32 s21, $0x6;
	v9 =	vld [tilespmem:s22+$0x0];
	[tilespmem:s20+$0x40] =	vst v7;
	v4 =	vpack.i.b32.b16 v6, v4;
	v6 =	vunpack.i.u.s16.s32 v2;
	v2 =	vunpack.i.l.s16.s32 v2  }
0x53: {  	v7 =	vld [tilespmem:s22+$0xFFFFFE10];
	[tilespmem:s20+$0xFFFFFFD0] =	vst v4;
	v4 =	vpack.i.b32.b16 v8, v10;
	v8 =	vunpack.i.u.s16.s32 v3;
	v3 =	vunpack.i.l.s16.s32 v3  }
0x54: {  	v10 =	vld [tilespmem:s22+$0x10];
	v13 =	vunpack.i.u.s16.s32 v5;
	v5 =	vunpack.i.l.s16.s32 v5;
	[tilespmem:s20+$0x50] =	vst v4;
	v2 =	vpack.i.b32.b16 v3, v2  }
0x55: {  	v3 =	vld [tilespmem:s22+$0xFFFFFE20];
	v4 =	vunpack.i.l.s16.s32 v12;
	v1 =	vpack.i.b32.b16 v1, v5;
	v5 =	vpack.i.b32.b16 v0, v13;
	[tilespmem:s20+$0xFFFFFFE0] =	vst v2  }
0x56: {  	v12 =	vunpack.i.u.s16.s32 v12;
	v2 =	vld [tilespmem:s22+$0x20];
	v13 =	vunpack.i.u.s16.s32 v11;
	v11 =	vunpack.i.l.s16.s32 v11;
	[tilespmem:s20+$0xFFFFFF80] =	vst v1  }
0x57: {  	s20 =	sadd.s32 $0x100, s20;
	v0 =	vunpack.i.u.s16.s32 v9;
	v1 =	vunpack.i.l.s16.s32 v9;
	v9 =	vld [tilespmem:s22+$0xFFFFFE30];
	v12 =	vpack.i.b32.b16 v13, v12;
	[tilespmem:s19+$0x0] =	vst v5  }
0x58: {  	v6 =	vpack.i.b32.b16 v8, v6;
	v5 =	vunpack.i.u.s16.s32 v7;
	v7 =	vunpack.i.l.s16.s32 v7;
	v13 =	vld [tilespmem:s22+$0x30];
	[tilespmem:s20+$0x70] =	vst v12  }
0x59: {  	v4 =	vpack.i.b32.b16 v11, v4;
	v8 =	vunpack.i.u.s16.s32 v10;
	v10 =	vunpack.i.l.s16.s32 v10;
	v12 =	vld [tilespmem:s22+$0xFFFFFE40];
	[tilespmem:s19+$0x60] =	vst v6;
	s19 =	smov.u32 s20  }
0x5a: {  	v6 =	vpack.i.b32.b16 v10, v7;
	v7 =	vunpack.i.u.s16.s32 v3;
	v3 =	vunpack.i.l.s16.s32 v3;
	v11 =	vld [tilespmem:s22+$0x40];
	[tilespmem:s20+$0xFFFFFFF0] =	vst v4  }
.Ltmp4:
0x5b: {  	v5 =	vpack.i.b32.b16 v8, v5;
	[tilespmem:s20+$0xFFFFFF90] =	vst v6;
	v8 =	vunpack.i.u.s16.s32 v2;
	v2 =	vunpack.i.l.s16.s32 v2;
	v4 =	vld [tilespmem:s22+$0xFFFFFE50];
	(pc) =	sbr.rel @p0 .LBB1_5-.Ltmp4, $4  }
0x5c: {  	[tilespmem:s20+$0x10] =	vst v5;
	v2 =	vpack.i.b32.b16 v2, v3;
	v10 =	vunpack.i.u.s16.s32 v9;
	v3 =	vunpack.i.l.s16.s32 v9;
	v6 =	vld [tilespmem:s22+$0x50]  }
0x5d: {  	v5 =	vpack.i.b32.b16 v8, v7;
	[tilespmem:s20+$0xFFFFFFA0] =	vst v2;
	v9 =	vunpack.i.u.s16.s32 v13;
	v7 =	vunpack.i.l.s16.s32 v13;
	v2 =	vld [tilespmem:s22+$0xFFFFFE60]  }
0x5e: {  	[tilespmem:s20+$0x20] =	vst v5;
	v13 =	vpack.i.b32.b16 v7, v3;
	v7 =	vunpack.i.u.s16.s32 v12;
	v8 =	vunpack.i.l.s16.s32 v12;
	v3 =	vld [tilespmem:s22+$0x60]  }
0x5f: {  	v10 =	vpack.i.b32.b16 v9, v10;
	v5 =	vld [tilespmem:s22+$0xFFFFFE00];
	[tilespmem:s20+$0xFFFFFFB0] =	vst v13;
	v9 =	vunpack.i.u.s16.s32 v11;
	v11 =	vunpack.i.l.s16.s32 v11;
	s22 =	sadd.s32 $0x80, s22  }
0x60: {  	[tilespmem:s20+$0x30] =	vst v10;
	v8 =	vpack.i.b32.b16 v11, v8  }
0x61: {  	v51 =	vunpack.i.l.s16.s32 v4;
	v7 =	vpack.i.b32.b16 v9, v7;
	[tilespmem:s20+$0xFFFFFFC0] =	vst v8;
	v52 =	vunpack.i.l.s16.s32 v6  }
0x62: {  	v53 =	vunpack.i.u.s16.s32 v4;
	s18 =	sadd.s32 $0x1, s18;
	v54 =	vunpack.i.u.s16.s32 v6;
	[tilespmem:s20+$0x40] =	vst v7;
	v55 =	vpack.i.b32.b16 v52, v51  }
0x63: {  	p0 =	sne.s32 s18, s15;
	v56 =	vunpack.i.l.s16.s32 v2;
	v4 =	vpack.i.b32.b16 v54, v53;
	[tilespmem:s20+$0xFFFFFFD0] =	vst v55;
	v57 =	vunpack.i.l.s16.s32 v3  }
.Ltmp5:
0x64: {  	[tilespmem:s20+$0x50] =	vst v4;
	v58 =	vunpack.i.l.s16.s32 v5;
	v59 =	vpack.i.b32.b16 v57, v56;
	(pc) =	sbr.rel @p0 .LBB1_4-.Ltmp5, $4  }
.Ltmp6:
0x65: {  	v61 =	vunpack.i.u.s16.s32 v2;
	v62 =	vunpack.i.u.s16.s32 v3;
	v1 =	vpack.i.b32.b16 v1, v58;
	[tilespmem:s20+$0xFFFFFFE0] =	vst v59;
	(pc) =	sbr.rel @!p0 .LBB1_7-.Ltmp6, $4  }
0x66: {  	v60 =	vunpack.i.u.s16.s32 v5;
	v63 =	vpack.i.b32.b16 v62, v61;
	[tilespmem:s20+$0xFFFFFF80] =	vst v1  }
0x67: {  	v0 =	vpack.i.b32.b16 v0, v60;
	[tilespmem:s19+$0x60] =	vst v63  }
0x68: {  	s16 =	sadd.s32 $0x400, s16;
	s17 =	sadd.s32 $0x400, s17;
	[tilespmem:s19+$0x0] =	vst v0  }
0x69: {  	_ = 	snop  }
.LBB1_9:
0x6a: {  	_ =	sfence.sel $0x180000  }
0x6b: {  	s2 =	simm.s32 $0x1;
	[bflag:$0x0] =	sbarrier.arrive $0xFFFF  }
0x6c: {  	s31 =	simm.s32 $0x2;
	[sflag:s2] =	ssyncpa.u1 $0x1  }
0x6d: {  	[sflag:s31] =	ssyncpa.u1 $0x1  }
0x6e: {  	p0 =	sne.s32 s1, $0x0;
	_ =	strace $0x9000004D  }
0x6f: {  	s0 =	sadd.s32 @!p0 $0x100000, s0;
	[bflag:$0x2] =	sbarrier.arrive $0xFFFF  }
0x70: {  	[sflag:s0] =	ssyncadd.tile.s32 @!p0 $0x1;
	_ =	shalt  }
.Lfunc_end1:
_tile_overlayer_lowered:
.L_overlay_start_2:
0x71: {  	(tag) =	ssettag $0x2  }
0x72: {  	s0 =	rddreg [dreg:$0x0];
	s2 =	stileid.u32  }
0x73: {  	s1 =	rddreg [dreg:$0x1];
	p0 =	sne.s32 s2, $0x0  }
0x74: {  	s3 =	rddreg [dreg:$0x2];
	[bflag:$0x3] =	sbarrier.arrive $0xFFFF;
	s2 =	simm.s32 @!p0 $0x1C01  }
0x75: {  	[timem:s3], [sflag:s2] =	dma.local @!p0 [hbm:s0], s1  }
0x76: {  	s0 =	simm.s32 @!p0 $0x1  }
0x77: {  	_ =	swait.ge @!p0 [sflag:s0], s1  }
0x78: {  	s1 =	ssub.s32 @!p0 $0x0, s1;
	[sflag:s0] =	ssyncset.done @!p0 $0x0  }
0x79: {  	[sflag:s0] =	ssyncadd.s32 @!p0 s1  }
0x7a: {  	[bflag:$0x3] =	sbarrier.arrive $0xFFFF  }
0x7b: {  	_ =	shalt  }

</sc_bundles>
